<compile_context>
chip_gen: v7x
topology: tpu7x:2x2x1
jax: 0.10.2.dev20260603
libtpu: 0.0.44.dev20260713+nightly
codegen_flags: <defaults>
</compile_context>

<pallas_src>
import functools

import numpy as np
import jax
import jax.numpy as jnp
from jax import lax
from jax.experimental import pallas as pl
from jax.experimental.pallas import tpu as pltpu
from jax.experimental.pallas import tpu_sc as plsc

_C = 64
_B, _T = 1024, 200
_NW = 32
_TOK = _B * _T
_PER_W = _TOK // _NW
_CH = 400
_NCH = _PER_W // _CH
_GPC = _CH // 16


def _sin_pe(T, C):
    pos = np.arange(T, dtype=np.float32)[:, None]
    div = np.exp(np.arange(0, C, 2, dtype=np.float32) * (-np.log(10000.0) / C))
    pe = np.zeros((T, C), dtype=np.float32)
    pe[:, 0::2] = np.sin(pos * div)
    pe[:, 1::2] = np.cos(pos * div)
    return pe


@functools.partial(
    pl.kernel,
    mesh=plsc.VectorSubcoreMesh(core_axis_name="c", subcore_axis_name="s"),
    out_type=jax.ShapeDtypeStruct((_TOK, _C), jnp.float32),
    scratch_types=[
        pltpu.VMEM((_PER_W,), jnp.int32),
        pltpu.VMEM((_T, _C), jnp.float32),
        pltpu.VMEM((_CH, _C), jnp.float32),
        pltpu.SemaphoreType.DMA,
        pltpu.SemaphoreType.DMA,
    ],
    compiler_params=pltpu.CompilerParams(use_tc_tiling_on_sc=True),
)
def _emb(idx_hbm, table_hbm, pe_hbm, out_hbm, idx_v, pe_v, buf, gsem, ssem):
    cid = lax.axis_index("c")
    sid = lax.axis_index("s")
    wid = sid * 2 + cid
    base = pl.multiple_of(wid * _PER_W, _PER_W)
    pltpu.sync_copy(idx_hbm.at[pl.ds(base, _PER_W)], idx_v)
    pltpu.sync_copy(pe_hbm, pe_v)

    def chunk(c, carry):
        def grp(g, carry2):
            vec = idx_v[pl.ds(c * _CH + g * 16, 16)]
            for l in range(16):
                r = vec[l]
                pltpu.async_copy(
                    table_hbm.at[r],
                    buf.at[g * 16 + l],
                    gsem,
                )
            return carry2

        lax.fori_loop(0, _GPC, grp, 0)
        pltpu.make_async_copy(
            out_hbm.at[pl.ds(0, _CH)], buf, gsem
        ).wait()

        def add_pe(tt, carry2):
            for dt in range(2):
                t = tt * 2 + dt
                for v in range(_C // 16):
                    sl = pl.ds(v * 16, 16)
                    p = pe_v[t, sl]
                    for rep in range(_CH // _T):
                        r = rep * _T + t
                        buf[r, sl] = buf[r, sl] + p
            return carry2

        lax.fori_loop(0, _T // 2, add_pe, 0)
        pltpu.async_copy(
            buf,
            out_hbm.at[pl.ds(pl.multiple_of(base + c * _CH, _CH), _CH)],
            ssem,
        ).wait()
        return carry

    lax.fori_loop(0, _NCH, chunk, 0)


def kernel(x, table):
    idx = x.reshape(_TOK).astype(jnp.int32)
    table3 = lax.optimization_barrier(table.reshape(125000, 8, _C))
    table3 = table3.reshape(1000000, _C)
    pe = jnp.asarray(_sin_pe(_T, _C))
    out = _emb(idx, table3, pe)
    return out.reshape(_B, _T, _C)

# --- scband reference (transcript-rebuilt; emitter-appended) ---
"""Pipeline reference for scband-embedding-27255862460508 (READ-ONLY COPY).

The authoritative reference and input builder live on the scoring server;
editing this copy changes nothing except your own understanding.
"""

import jax, jax.numpy as jnp
import numpy as np

VOCAB = 1000000
EMBED_DIM = 64
PAD_ID = 0
B, T = 1024, 200


def sinusoidal_pe(T, C):
    pos = np.arange(T, dtype=np.float32)[:, None]
    div = np.exp(np.arange(0, C, 2, dtype=np.float32) * (-np.log(10000.0) / C))
    pe = np.zeros((T, C), dtype=np.float32)
    pe[:, 0::2] = np.sin(pos * div)
    pe[:, 1::2] = np.cos(pos * div)
    return jnp.asarray(pe)


def setup_inputs(seed: int = 0) -> dict:
    key = jax.random.key(seed)
    k1, k2 = jax.random.split(key)
    x = jax.random.randint(k1, (B, T), 0, VOCAB, dtype=jnp.int64)
    # Xavier-uniform-ish token table; padding row zeroed (padding_idx semantics)
    limit = float(np.sqrt(6.0 / (VOCAB + EMBED_DIM)))
    table = jax.random.uniform(k2, (VOCAB, EMBED_DIM), minval=-limit, maxval=limit, dtype=jnp.float32)
    table = table.at[PAD_ID].set(0.0)
    return {"x": x, "table": table}


def reference(x, table):
    # token embedding lookup (gather)
    y = jnp.take(table, x, axis=0)  # (B, T, C)
    # additive sinusoidal positional encoding
    pe = sinusoidal_pe(y.shape[1], y.shape[2])
    return y + pe[None, :, :]

if __name__ == "__main__":
    import jax
    _d = setup_inputs()
    print(jax.jit(kernel)(*tuple(_d.values())))

</pallas_src>

<mosaic_0001>
#map = affine_map<(d0, d1) -> (0)>
#map1 = affine_map<(d0, d1) -> (0, 0)>
module attributes {stable_mosaic.version = 14 : i64} {
  func.func @_emb(%arg0: i32, %arg1: i32, %arg2: memref<204800xi32, #tpu.memory_space<hbm>>, %arg3: memref<1000000x64xf32, #tpu.memory_space<hbm>>, %arg4: memref<200x64xf32, #tpu.memory_space<hbm>>, %arg5: memref<204800x64xf32, #tpu.memory_space<hbm>>, %arg6: memref<6400xi32, #tpu.memory_space<vmem>>, %arg7: memref<200x64xf32, #tpu.memory_space<vmem>>, %arg8: memref<400x64xf32, #tpu.memory_space<vmem>>, %arg9: memref<!tpu.dma_semaphore, #tpu.memory_space<semaphore_mem>>, %arg10: memref<!tpu.dma_semaphore, #tpu.memory_space<semaphore_mem>>) attributes {dimension_semantics = [#tpu.dimension_semantics<core_parallel>, #tpu.dimension_semantics<subcore_parallel>], iteration_bounds = array<i64: 2, 16>, scalar_prefetch = 0 : i64, scratch_operands = 5 : i64, tpu.core_type = #tpu.core_type<sc_vector_subcore>, window_params = [{transform_indices = #map}, {transform_indices = #map1}, {transform_indices = #map1}, {transform_indices = #map1}]} {
    %mul3A = arith.constant 2 : i32
    %mul3A_0 = arith.muli %arg1, %mul3A : i32
    %add3A = arith.addi %mul3A_0, %arg0 : i32
    %mul3A_1 = arith.constant 6400 : i32
    %mul3A_2 = arith.muli %add3A, %mul3A_1 : i32
    %multiple_of3A = tpu.assume_multiple %mul3A_2, 6400 : i32
    "tpu.region"() ({
      %run_scoped3A = tpu.sem_alloc : memref<!tpu.dma_semaphore, #tpu.memory_space<semaphore_mem>>
      %dma_start3A = tpu.memref_slice %arg2[%multiple_of3A] : memref<204800xi32, #tpu.memory_space<hbm>> -> memref<6400xi32, #tpu.memory_space<hbm>>
      %dma_start3A_8 = tpu.memref_slice %arg2[%multiple_of3A] : memref<204800xi32, #tpu.memory_space<hbm>> -> memref<6400xi32, #tpu.memory_space<hbm>>
      tpu.enqueue_dma source(%dma_start3A_8 : memref<6400xi32, #tpu.memory_space<hbm>>) target(%arg6 : memref<6400xi32, #tpu.memory_space<vmem>>) target_semaphore(%run_scoped3A : memref<!tpu.dma_semaphore, #tpu.memory_space<semaphore_mem>>)
      %dma_wait3A = tpu.memref_slice %arg2[%multiple_of3A] : memref<204800xi32, #tpu.memory_space<hbm>> -> memref<6400xi32, #tpu.memory_space<hbm>>
      %dma_wait3A_9 = tpu.memref_slice %arg2[%multiple_of3A] : memref<204800xi32, #tpu.memory_space<hbm>> -> memref<6400xi32, #tpu.memory_space<hbm>>
      tpu.wait_dma2 semaphore(%run_scoped3A : memref<!tpu.dma_semaphore, #tpu.memory_space<semaphore_mem>>) src(%dma_wait3A_9 : memref<6400xi32, #tpu.memory_space<hbm>>) dst(%arg6 : memref<6400xi32, #tpu.memory_space<vmem>>)
      tpu.yield
    }) : () -> ()
    "tpu.region"() ({
      %run_scoped3A = tpu.sem_alloc : memref<!tpu.dma_semaphore, #tpu.memory_space<semaphore_mem>>
      tpu.enqueue_dma source(%arg4 : memref<200x64xf32, #tpu.memory_space<hbm>>) target(%arg7 : memref<200x64xf32, #tpu.memory_space<vmem>>) target_semaphore(%run_scoped3A : memref<!tpu.dma_semaphore, #tpu.memory_space<semaphore_mem>>)
      tpu.wait_dma2 semaphore(%run_scoped3A : memref<!tpu.dma_semaphore, #tpu.memory_space<semaphore_mem>>) src(%arg4 : memref<200x64xf32, #tpu.memory_space<hbm>>) dst(%arg7 : memref<200x64xf32, #tpu.memory_space<vmem>>)
      tpu.yield
    }) : () -> ()
    %scan3A = arith.constant 0 : i32
    %scan3A_3 = arith.constant 0 : i32
    %scan3A_4 = arith.constant 16 : i32
    %scan3A_5 = arith.addi %scan3A_3, %scan3A_4 : i32
    %scan3A_6 = arith.constant 1 : i32
    scf.for %scan3A_8 = %scan3A_3 to %scan3A_5 step %scan3A_6  : i32 {
      %scan3A_9 = arith.constant 0 : i32
      %scan3A_10 = arith.constant 0 : i32
      %scan3A_11 = arith.constant 25 : i32
      %scan3A_12 = arith.addi %scan3A_10, %scan3A_11 : i32
      %scan3A_13 = arith.constant 1 : i32
      scf.for %scan3A_37 = %scan3A_10 to %scan3A_12 step %scan3A_13  : i32 {
        %mul3A_38 = arith.constant 400 : i32
        %mul3A_39 = arith.muli %scan3A_8, %mul3A_38 : i32
        %mul3A_40 = arith.constant 16 : i32
        %mul3A_41 = arith.muli %scan3A_37, %mul3A_40 : i32
        %add3A_42 = arith.addi %mul3A_39, %mul3A_41 : i32
        %get3A = arith.index_cast %add3A_42 : i32 to index
        %get3A_43 = tpu.vector_load %arg6[%get3A] {strides = array<i32>} : memref<6400xi32, #tpu.memory_space<vmem>>, vector<16xi32>,
        %get3A_44 = vector.shape_cast %get3A_43 : vector<16xi32> to vector<16xi32>
        %slice3A = vector.extract_strided_slice %get3A_44 {offsets = [0], sizes = [1], strides = [1]} : vector<16xi32> to vector<1xi32>
        %squeeze3A = vector.extract %slice3A[0] : i32 from vector<1xi32>
        %mul3A_45 = arith.constant 16 : i32
        %mul3A_46 = arith.muli %scan3A_37, %mul3A_45 : i32
        %add3A_47 = arith.constant 0 : i32
        %add3A_48 = arith.addi %mul3A_46, %add3A_47 : i32
        %dma_start3A_49 = arith.constant 0 : i32
        %dma_start3A_50 = tpu.memref_slice %arg8[%add3A_48, %dma_start3A_49] : memref<400x64xf32, #tpu.memory_space<vmem>> -> memref<1x64xf32, #tpu.memory_space<vmem>>
        %dma_start3A_51 = tpu.memref_squeeze %dma_start3A_50 : memref<1x64xf32, #tpu.memory_space<vmem>> -> memref<64xf32, #tpu.memory_space<vmem>>
        %dma_start3A_52 = arith.constant 0 : i32
        %dma_start3A_53 = tpu.memref_slice %arg3[%squeeze3A, %dma_start3A_52] : memref<1000000x64xf32, #tpu.memory_space<hbm>> -> memref<1x64xf32, #tpu.memory_space<hbm>>
        %dma_start3A_54 = tpu.memref_squeeze %dma_start3A_53 : memref<1x64xf32, #tpu.memory_space<hbm>> -> memref<64xf32, #tpu.memory_space<hbm>>
        %dma_start3A_55 = arith.constant 0 : i32
        %dma_start3A_56 = tpu.memref_slice %arg8[%add3A_48, %dma_start3A_55] : memref<400x64xf32, #tpu.memory_space<vmem>> -> memref<1x64xf32, #tpu.memory_space<vmem>>
        %dma_start3A_57 = tpu.memref_squeeze %dma_start3A_56 : memref<1x64xf32, #tpu.memory_space<vmem>> -> memref<64xf32, #tpu.memory_space<vmem>>
        %dma_start3A_58 = arith.constant 0 : i32
        %dma_start3A_59 = tpu.memref_slice %arg3[%squeeze3A, %dma_start3A_58] : memref<1000000x64xf32, #tpu.memory_space<hbm>> -> memref<1x64xf32, #tpu.memory_space<hbm>>
        %dma_start3A_60 = tpu.memref_squeeze %dma_start3A_59 : memref<1x64xf32, #tpu.memory_space<hbm>> -> memref<64xf32, #tpu.memory_space<hbm>>
        tpu.enqueue_dma source(%dma_start3A_60 : memref<64xf32, #tpu.memory_space<hbm>>) target(%dma_start3A_57 : memref<64xf32, #tpu.memory_space<vmem>>) target_semaphore(%arg9 : memref<!tpu.dma_semaphore, #tpu.memory_space<semaphore_mem>>)
        %slice3A_61 = vector.extract_strided_slice %get3A_44 {offsets = [1], sizes = [1], strides = [1]} : vector<16xi32> to vector<1xi32>
        %squeeze3A_62 = vector.extract %slice3A_61[0] : i32 from vector<1xi32>
        %mul3A_63 = arith.constant 16 : i32
        %mul3A_64 = arith.muli %scan3A_37, %mul3A_63 : i32
        %add3A_65 = arith.constant 1 : i32
        %add3A_66 = arith.addi %mul3A_64, %add3A_65 : i32
        %dma_start3A_67 = arith.constant 0 : i32
        %dma_start3A_68 = tpu.memref_slice %arg8[%add3A_66, %dma_start3A_67] : memref<400x64xf32, #tpu.memory_space<vmem>> -> memref<1x64xf32, #tpu.memory_space<vmem>>
        %dma_start3A_69 = tpu.memref_squeeze %dma_start3A_68 : memref<1x64xf32, #tpu.memory_space<vmem>> -> memref<64xf32, #tpu.memory_space<vmem>>
        %dma_start3A_70 = arith.constant 0 : i32
        %dma_start3A_71 = tpu.memref_slice %arg3[%squeeze3A_62, %dma_start3A_70] : memref<1000000x64xf32, #tpu.memory_space<hbm>> -> memref<1x64xf32, #tpu.memory_space<hbm>>
        %dma_start3A_72 = tpu.memref_squeeze %dma_start3A_71 : memref<1x64xf32, #tpu.memory_space<hbm>> -> memref<64xf32, #tpu.memory_space<hbm>>
        %dma_start3A_73 = arith.constant 0 : i32
        %dma_start3A_74 = tpu.memref_slice %arg8[%add3A_66, %dma_start3A_73] : memref<400x64xf32, #tpu.memory_space<vmem>> -> memref<1x64xf32, #tpu.memory_space<vmem>>
        %dma_start3A_75 = tpu.memref_squeeze %dma_start3A_74 : memref<1x64xf32, #tpu.memory_space<vmem>> -> memref<64xf32, #tpu.memory_space<vmem>>
        %dma_start3A_76 = arith.constant 0 : i32
        %dma_start3A_77 = tpu.memref_slice %arg3[%squeeze3A_62, %dma_start3A_76] : memref<1000000x64xf32, #tpu.memory_space<hbm>> -> memref<1x64xf32, #tpu.memory_space<hbm>>
        %dma_start3A_78 = tpu.memref_squeeze %dma_start3A_77 : memref<1x64xf32, #tpu.memory_space<hbm>> -> memref<64xf32, #tpu.memory_space<hbm>>
        tpu.enqueue_dma source(%dma_start3A_78 : memref<64xf32, #tpu.memory_space<hbm>>) target(%dma_start3A_75 : memref<64xf32, #tpu.memory_space<vmem>>) target_semaphore(%arg9 : memref<!tpu.dma_semaphore, #tpu.memory_space<semaphore_mem>>)
        %slice3A_79 = vector.extract_strided_slice %get3A_44 {offsets = [2], sizes = [1], strides = [1]} : vector<16xi32> to vector<1xi32>
        %squeeze3A_80 = vector.extract %slice3A_79[0] : i32 from vector<1xi32>
        %mul3A_81 = arith.constant 16 : i32
        %mul3A_82 = arith.muli %scan3A_37, %mul3A_81 : i32
        %add3A_83 = arith.constant 2 : i32
        %add3A_84 = arith.addi %mul3A_82, %add3A_83 : i32
        %dma_start3A_85 = arith.constant 0 : i32
        %dma_start3A_86 = tpu.memref_slice %arg8[%add3A_84, %dma_start3A_85] : memref<400x64xf32, #tpu.memory_space<vmem>> -> memref<1x64xf32, #tpu.memory_space<vmem>>
        %dma_start3A_87 = tpu.memref_squeeze %dma_start3A_86 : memref<1x64xf32, #tpu.memory_space<vmem>> -> memref<64xf32, #tpu.memory_space<vmem>>
        %dma_start3A_88 = arith.constant 0 : i32
        %dma_start3A_89 = tpu.memref_slice %arg3[%squeeze3A_80, %dma_start3A_88] : memref<1000000x64xf32, #tpu.memory_space<hbm>> -> memref<1x64xf32, #tpu.memory_space<hbm>>
        %dma_start3A_90 = tpu.memref_squeeze %dma_start3A_89 : memref<1x64xf32, #tpu.memory_space<hbm>> -> memref<64xf32, #tpu.memory_space<hbm>>
        %dma_start3A_91 = arith.constant 0 : i32
        %dma_start3A_92 = tpu.memref_slice %arg8[%add3A_84, %dma_start3A_91] : memref<400x64xf32, #tpu.memory_space<vmem>> -> memref<1x64xf32, #tpu.memory_space<vmem>>
        %dma_start3A_93 = tpu.memref_squeeze %dma_start3A_92 : memref<1x64xf32, #tpu.memory_space<vmem>> -> memref<64xf32, #tpu.memory_space<vmem>>
        %dma_start3A_94 = arith.constant 0 : i32
        %dma_start3A_95 = tpu.memref_slice %arg3[%squeeze3A_80, %dma_start3A_94] : memref<1000000x64xf32, #tpu.memory_space<hbm>> -> memref<1x64xf32, #tpu.memory_space<hbm>>
        %dma_start3A_96 = tpu.memref_squeeze %dma_start3A_95 : memref<1x64xf32, #tpu.memory_space<hbm>> -> memref<64xf32, #tpu.memory_space<hbm>>
        tpu.enqueue_dma source(%dma_start3A_96 : memref<64xf32, #tpu.memory_space<hbm>>) target(%dma_start3A_93 : memref<64xf32, #tpu.memory_space<vmem>>) target_semaphore(%arg9 : memref<!tpu.dma_semaphore, #tpu.memory_space<semaphore_mem>>)
        %slice3A_97 = vector.extract_strided_slice %get3A_44 {offsets = [3], sizes = [1], strides = [1]} : vector<16xi32> to vector<1xi32>
        %squeeze3A_98 = vector.extract %slice3A_97[0] : i32 from vector<1xi32>
        %mul3A_99 = arith.constant 16 : i32
        %mul3A_100 = arith.muli %scan3A_37, %mul3A_99 : i32
        %add3A_101 = arith.constant 3 : i32
        %add3A_102 = arith.addi %mul3A_100, %add3A_101 : i32
        %dma_start3A_103 = arith.constant 0 : i32
        %dma_start3A_104 = tpu.memref_slice %arg8[%add3A_102, %dma_start3A_103] : memref<400x64xf32, #tpu.memory_space<vmem>> -> memref<1x64xf32, #tpu.memory_space<vmem>>
        %dma_start3A_105 = tpu.memref_squeeze %dma_start3A_104 : memref<1x64xf32, #tpu.memory_space<vmem>> -> memref<64xf32, #tpu.memory_space<vmem>>
        %dma_start3A_106 = arith.constant 0 : i32
        %dma_start3A_107 = tpu.memref_slice %arg3[%squeeze3A_98, %dma_start3A_106] : memref<1000000x64xf32, #tpu.memory_space<hbm>> -> memref<1x64xf32, #tpu.memory_space<hbm>>
        %dma_start3A_108 = tpu.memref_squeeze %dma_start3A_107 : memref<1x64xf32, #tpu.memory_space<hbm>> -> memref<64xf32, #tpu.memory_space<hbm>>
        %dma_start3A_109 = arith.constant 0 : i32
        %dma_start3A_110 = tpu.memref_slice %arg8[%add3A_102, %dma_start3A_109] : memref<400x64xf32, #tpu.memory_space<vmem>> -> memref<1x64xf32, #tpu.memory_space<vmem>>
        %dma_start3A_111 = tpu.memref_squeeze %dma_start3A_110 : memref<1x64xf32, #tpu.memory_space<vmem>> -> memref<64xf32, #tpu.memory_space<vmem>>
        %dma_start3A_112 = arith.constant 0 : i32
        %dma_start3A_113 = tpu.memref_slice %arg3[%squeeze3A_98, %dma_start3A_112] : memref<1000000x64xf32, #tpu.memory_space<hbm>> -> memref<1x64xf32, #tpu.memory_space<hbm>>
        %dma_start3A_114 = tpu.memref_squeeze %dma_start3A_113 : memref<1x64xf32, #tpu.memory_space<hbm>> -> memref<64xf32, #tpu.memory_space<hbm>>
        tpu.enqueue_dma source(%dma_start3A_114 : memref<64xf32, #tpu.memory_space<hbm>>) target(%dma_start3A_111 : memref<64xf32, #tpu.memory_space<vmem>>) target_semaphore(%arg9 : memref<!tpu.dma_semaphore, #tpu.memory_space<semaphore_mem>>)
        %slice3A_115 = vector.extract_strided_slice %get3A_44 {offsets = [4], sizes = [1], strides = [1]} : vector<16xi32> to vector<1xi32>
        %squeeze3A_116 = vector.extract %slice3A_115[0] : i32 from vector<1xi32>
        %mul3A_117 = arith.constant 16 : i32
        %mul3A_118 = arith.muli %scan3A_37, %mul3A_117 : i32
        %add3A_119 = arith.constant 4 : i32
        %add3A_120 = arith.addi %mul3A_118, %add3A_119 : i32
        %dma_start3A_121 = arith.constant 0 : i32
        %dma_start3A_122 = tpu.memref_slice %arg8[%add3A_120, %dma_start3A_121] : memref<400x64xf32, #tpu.memory_space<vmem>> -> memref<1x64xf32, #tpu.memory_space<vmem>>
        %dma_start3A_123 = tpu.memref_squeeze %dma_start3A_122 : memref<1x64xf32, #tpu.memory_space<vmem>> -> memref<64xf32, #tpu.memory_space<vmem>>
        %dma_start3A_124 = arith.constant 0 : i32
        %dma_start3A_125 = tpu.memref_slice %arg3[%squeeze3A_116, %dma_start3A_124] : memref<1000000x64xf32, #tpu.memory_space<hbm>> -> memref<1x64xf32, #tpu.memory_space<hbm>>
        %dma_start3A_126 = tpu.memref_squeeze %dma_start3A_125 : memref<1x64xf32, #tpu.memory_space<hbm>> -> memref<64xf32, #tpu.memory_space<hbm>>
        %dma_start3A_127 = arith.constant 0 : i32
        %dma_start3A_128 = tpu.memref_slice %arg8[%add3A_120, %dma_start3A_127] : memref<400x64xf32, #tpu.memory_space<vmem>> -> memref<1x64xf32, #tpu.memory_space<vmem>>
        %dma_start3A_129 = tpu.memref_squeeze %dma_start3A_128 : memref<1x64xf32, #tpu.memory_space<vmem>> -> memref<64xf32, #tpu.memory_space<vmem>>
        %dma_start3A_130 = arith.constant 0 : i32
        %dma_start3A_131 = tpu.memref_slice %arg3[%squeeze3A_116, %dma_start3A_130] : memref<1000000x64xf32, #tpu.memory_space<hbm>> -> memref<1x64xf32, #tpu.memory_space<hbm>>
        %dma_start3A_132 = tpu.memref_squeeze %dma_start3A_131 : memref<1x64xf32, #tpu.memory_space<hbm>> -> memref<64xf32, #tpu.memory_space<hbm>>
        tpu.enqueue_dma source(%dma_start3A_132 : memref<64xf32, #tpu.memory_space<hbm>>) target(%dma_start3A_129 : memref<64xf32, #tpu.memory_space<vmem>>) target_semaphore(%arg9 : memref<!tpu.dma_semaphore, #tpu.memory_space<semaphore_mem>>)
        %slice3A_133 = vector.extract_strided_slice %get3A_44 {offsets = [5], sizes = [1], strides = [1]} : vector<16xi32> to vector<1xi32>
        %squeeze3A_134 = vector.extract %slice3A_133[0] : i32 from vector<1xi32>
        %mul3A_135 = arith.constant 16 : i32
        %mul3A_136 = arith.muli %scan3A_37, %mul3A_135 : i32
        %add3A_137 = arith.constant 5 : i32
        %add3A_138 = arith.addi %mul3A_136, %add3A_137 : i32
        %dma_start3A_139 = arith.constant 0 : i32
        %dma_start3A_140 = tpu.memref_slice %arg8[%add3A_138, %dma_start3A_139] : memref<400x64xf32, #tpu.memory_space<vmem>> -> memref<1x64xf32, #tpu.memory_space<vmem>>
        %dma_start3A_141 = tpu.memref_squeeze %dma_start3A_140 : memref<1x64xf32, #tpu.memory_space<vmem>> -> memref<64xf32, #tpu.memory_space<vmem>>
        %dma_start3A_142 = arith.constant 0 : i32
        %dma_start3A_143 = tpu.memref_slice %arg3[%squeeze3A_134, %dma_start3A_142] : memref<1000000x64xf32, #tpu.memory_space<hbm>> -> memref<1x64xf32, #tpu.memory_space<hbm>>
        %dma_start3A_144 = tpu.memref_squeeze %dma_start3A_143 : memref<1x64xf32, #tpu.memory_space<hbm>> -> memref<64xf32, #tpu.memory_space<hbm>>
        %dma_start3A_145 = arith.constant 0 : i32
        %dma_start3A_146 = tpu.memref_slice %arg8[%add3A_138, %dma_start3A_145] : memref<400x64xf32, #tpu.memory_space<vmem>> -> memref<1x64xf32, #tpu.memory_space<vmem>>
        %dma_start3A_147 = tpu.memref_squeeze %dma_start3A_146 : memref<1x64xf32, #tpu.memory_space<vmem>> -> memref<64xf32, #tpu.memory_space<vmem>>
        %dma_start3A_148 = arith.constant 0 : i32
        %dma_start3A_149 = tpu.memref_slice %arg3[%squeeze3A_134, %dma_start3A_148] : memref<1000000x64xf32, #tpu.memory_space<hbm>> -> memref<1x64xf32, #tpu.memory_space<hbm>>
        %dma_start3A_150 = tpu.memref_squeeze %dma_start3A_149 : memref<1x64xf32, #tpu.memory_space<hbm>> -> memref<64xf32, #tpu.memory_space<hbm>>
        tpu.enqueue_dma source(%dma_start3A_150 : memref<64xf32, #tpu.memory_space<hbm>>) target(%dma_start3A_147 : memref<64xf32, #tpu.memory_space<vmem>>) target_semaphore(%arg9 : memref<!tpu.dma_semaphore, #tpu.memory_space<semaphore_mem>>)
        %slice3A_151 = vector.extract_strided_slice %get3A_44 {offsets = [6], sizes = [1], strides = [1]} : vector<16xi32> to vector<1xi32>
        %squeeze3A_152 = vector.extract %slice3A_151[0] : i32 from vector<1xi32>
        %mul3A_153 = arith.constant 16 : i32
        %mul3A_154 = arith.muli %scan3A_37, %mul3A_153 : i32
        %add3A_155 = arith.constant 6 : i32
        %add3A_156 = arith.addi %mul3A_154, %add3A_155 : i32
        %dma_start3A_157 = arith.constant 0 : i32
        %dma_start3A_158 = tpu.memref_slice %arg8[%add3A_156, %dma_start3A_157] : memref<400x64xf32, #tpu.memory_space<vmem>> -> memref<1x64xf32, #tpu.memory_space<vmem>>
        %dma_start3A_159 = tpu.memref_squeeze %dma_start3A_158 : memref<1x64xf32, #tpu.memory_space<vmem>> -> memref<64xf32, #tpu.memory_space<vmem>>
        %dma_start3A_160 = arith.constant 0 : i32
        %dma_start3A_161 = tpu.memref_slice %arg3[%squeeze3A_152, %dma_start3A_160] : memref<1000000x64xf32, #tpu.memory_space<hbm>> -> memref<1x64xf32, #tpu.memory_space<hbm>>
        %dma_start3A_162 = tpu.memref_squeeze %dma_start3A_161 : memref<1x64xf32, #tpu.memory_space<hbm>> -> memref<64xf32, #tpu.memory_space<hbm>>
        %dma_start3A_163 = arith.constant 0 : i32
        %dma_start3A_164 = tpu.memref_slice %arg8[%add3A_156, %dma_start3A_163] : memref<400x64xf32, #tpu.memory_space<vmem>> -> memref<1x64xf32, #tpu.memory_space<vmem>>
        %dma_start3A_165 = tpu.memref_squeeze %dma_start3A_164 : memref<1x64xf32, #tpu.memory_space<vmem>> -> memref<64xf32, #tpu.memory_space<vmem>>
        %dma_start3A_166 = arith.constant 0 : i32
        %dma_start3A_167 = tpu.memref_slice %arg3[%squeeze3A_152, %dma_start3A_166] : memref<1000000x64xf32, #tpu.memory_space<hbm>> -> memref<1x64xf32, #tpu.memory_space<hbm>>
        %dma_start3A_168 = tpu.memref_squeeze %dma_start3A_167 : memref<1x64xf32, #tpu.memory_space<hbm>> -> memref<64xf32, #tpu.memory_space<hbm>>
        tpu.enqueue_dma source(%dma_start3A_168 : memref<64xf32, #tpu.memory_space<hbm>>) target(%dma_start3A_165 : memref<64xf32, #tpu.memory_space<vmem>>) target_semaphore(%arg9 : memref<!tpu.dma_semaphore, #tpu.memory_space<semaphore_mem>>)
        %slice3A_169 = vector.extract_strided_slice %get3A_44 {offsets = [7], sizes = [1], strides = [1]} : vector<16xi32> to vector<1xi32>
        %squeeze3A_170 = vector.extract %slice3A_169[0] : i32 from vector<1xi32>
        %mul3A_171 = arith.constant 16 : i32
        %mul3A_172 = arith.muli %scan3A_37, %mul3A_171 : i32
        %add3A_173 = arith.constant 7 : i32
        %add3A_174 = arith.addi %mul3A_172, %add3A_173 : i32
        %dma_start3A_175 = arith.constant 0 : i32
        %dma_start3A_176 = tpu.memref_slice %arg8[%add3A_174, %dma_start3A_175] : memref<400x64xf32, #tpu.memory_space<vmem>> -> memref<1x64xf32, #tpu.memory_space<vmem>>
        %dma_start3A_177 = tpu.memref_squeeze %dma_start3A_176 : memref<1x64xf32, #tpu.memory_space<vmem>> -> memref<64xf32, #tpu.memory_space<vmem>>
        %dma_start3A_178 = arith.constant 0 : i32
        %dma_start3A_179 = tpu.memref_slice %arg3[%squeeze3A_170, %dma_start3A_178] : memref<1000000x64xf32, #tpu.memory_space<hbm>> -> memref<1x64xf32, #tpu.memory_space<hbm>>
        %dma_start3A_180 = tpu.memref_squeeze %dma_start3A_179 : memref<1x64xf32, #tpu.memory_space<hbm>> -> memref<64xf32, #tpu.memory_space<hbm>>
        %dma_start3A_181 = arith.constant 0 : i32
        %dma_start3A_182 = tpu.memref_slice %arg8[%add3A_174, %dma_start3A_181] : memref<400x64xf32, #tpu.memory_space<vmem>> -> memref<1x64xf32, #tpu.memory_space<vmem>>
        %dma_start3A_183 = tpu.memref_squeeze %dma_start3A_182 : memref<1x64xf32, #tpu.memory_space<vmem>> -> memref<64xf32, #tpu.memory_space<vmem>>
        %dma_start3A_184 = arith.constant 0 : i32
        %dma_start3A_185 = tpu.memref_slice %arg3[%squeeze3A_170, %dma_start3A_184] : memref<1000000x64xf32, #tpu.memory_space<hbm>> -> memref<1x64xf32, #tpu.memory_space<hbm>>
        %dma_start3A_186 = tpu.memref_squeeze %dma_start3A_185 : memref<1x64xf32, #tpu.memory_space<hbm>> -> memref<64xf32, #tpu.memory_space<hbm>>
        tpu.enqueue_dma source(%dma_start3A_186 : memref<64xf32, #tpu.memory_space<hbm>>) target(%dma_start3A_183 : memref<64xf32, #tpu.memory_space<vmem>>) target_semaphore(%arg9 : memref<!tpu.dma_semaphore, #tpu.memory_space<semaphore_mem>>)
        %slice3A_187 = vector.extract_strided_slice %get3A_44 {offsets = [8], sizes = [1], strides = [1]} : vector<16xi32> to vector<1xi32>
        %squeeze3A_188 = vector.extract %slice3A_187[0] : i32 from vector<1xi32>
        %mul3A_189 = arith.constant 16 : i32
        %mul3A_190 = arith.muli %scan3A_37, %mul3A_189 : i32
        %add3A_191 = arith.constant 8 : i32
        %add3A_192 = arith.addi %mul3A_190, %add3A_191 : i32
        %dma_start3A_193 = arith.constant 0 : i32
        %dma_start3A_194 = tpu.memref_slice %arg8[%add3A_192, %dma_start3A_193] : memref<400x64xf32, #tpu.memory_space<vmem>> -> memref<1x64xf32, #tpu.memory_space<vmem>>
        %dma_start3A_195 = tpu.memref_squeeze %dma_start3A_194 : memref<1x64xf32, #tpu.memory_space<vmem>> -> memref<64xf32, #tpu.memory_space<vmem>>
        %dma_start3A_196 = arith.constant 0 : i32
        %dma_start3A_197 = tpu.memref_slice %arg3[%squeeze3A_188, %dma_start3A_196] : memref<1000000x64xf32, #tpu.memory_space<hbm>> -> memref<1x64xf32, #tpu.memory_space<hbm>>
        %dma_start3A_198 = tpu.memref_squeeze %dma_start3A_197 : memref<1x64xf32, #tpu.memory_space<hbm>> -> memref<64xf32, #tpu.memory_space<hbm>>
        %dma_start3A_199 = arith.constant 0 : i32
        %dma_start3A_200 = tpu.memref_slice %arg8[%add3A_192, %dma_start3A_199] : memref<400x64xf32, #tpu.memory_space<vmem>> -> memref<1x64xf32, #tpu.memory_space<vmem>>
        %dma_start3A_201 = tpu.memref_squeeze %dma_start3A_200 : memref<1x64xf32, #tpu.memory_space<vmem>> -> memref<64xf32, #tpu.memory_space<vmem>>
        %dma_start3A_202 = arith.constant 0 : i32
        %dma_start3A_203 = tpu.memref_slice %arg3[%squeeze3A_188, %dma_start3A_202] : memref<1000000x64xf32, #tpu.memory_space<hbm>> -> memref<1x64xf32, #tpu.memory_space<hbm>>
        %dma_start3A_204 = tpu.memref_squeeze %dma_start3A_203 : memref<1x64xf32, #tpu.memory_space<hbm>> -> memref<64xf32, #tpu.memory_space<hbm>>
        tpu.enqueue_dma source(%dma_start3A_204 : memref<64xf32, #tpu.memory_space<hbm>>) target(%dma_start3A_201 : memref<64xf32, #tpu.memory_space<vmem>>) target_semaphore(%arg9 : memref<!tpu.dma_semaphore, #tpu.memory_space<semaphore_mem>>)
        %slice3A_205 = vector.extract_strided_slice %get3A_44 {offsets = [9], sizes = [1], strides = [1]} : vector<16xi32> to vector<1xi32>
        %squeeze3A_206 = vector.extract %slice3A_205[0] : i32 from vector<1xi32>
        %mul3A_207 = arith.constant 16 : i32
        %mul3A_208 = arith.muli %scan3A_37, %mul3A_207 : i32
        %add3A_209 = arith.constant 9 : i32
        %add3A_210 = arith.addi %mul3A_208, %add3A_209 : i32
        %dma_start3A_211 = arith.constant 0 : i32
        %dma_start3A_212 = tpu.memref_slice %arg8[%add3A_210, %dma_start3A_211] : memref<400x64xf32, #tpu.memory_space<vmem>> -> memref<1x64xf32, #tpu.memory_space<vmem>>
        %dma_start3A_213 = tpu.memref_squeeze %dma_start3A_212 : memref<1x64xf32, #tpu.memory_space<vmem>> -> memref<64xf32, #tpu.memory_space<vmem>>
        %dma_start3A_214 = arith.constant 0 : i32
        %dma_start3A_215 = tpu.memref_slice %arg3[%squeeze3A_206, %dma_start3A_214] : memref<1000000x64xf32, #tpu.memory_space<hbm>> -> memref<1x64xf32, #tpu.memory_space<hbm>>
        %dma_start3A_216 = tpu.memref_squeeze %dma_start3A_215 : memref<1x64xf32, #tpu.memory_space<hbm>> -> memref<64xf32, #tpu.memory_space<hbm>>
        %dma_start3A_217 = arith.constant 0 : i32
        %dma_start3A_218 = tpu.memref_slice %arg8[%add3A_210, %dma_start3A_217] : memref<400x64xf32, #tpu.memory_space<vmem>> -> memref<1x64xf32, #tpu.memory_space<vmem>>
        %dma_start3A_219 = tpu.memref_squeeze %dma_start3A_218 : memref<1x64xf32, #tpu.memory_space<vmem>> -> memref<64xf32, #tpu.memory_space<vmem>>
        %dma_start3A_220 = arith.constant 0 : i32
        %dma_start3A_221 = tpu.memref_slice %arg3[%squeeze3A_206, %dma_start3A_220] : memref<1000000x64xf32, #tpu.memory_space<hbm>> -> memref<1x64xf32, #tpu.memory_space<hbm>>
        %dma_start3A_222 = tpu.memref_squeeze %dma_start3A_221 : memref<1x64xf32, #tpu.memory_space<hbm>> -> memref<64xf32, #tpu.memory_space<hbm>>
        tpu.enqueue_dma source(%dma_start3A_222 : memref<64xf32, #tpu.memory_space<hbm>>) target(%dma_start3A_219 : memref<64xf32, #tpu.memory_space<vmem>>) target_semaphore(%arg9 : memref<!tpu.dma_semaphore, #tpu.memory_space<semaphore_mem>>)
        %slice3A_223 = vector.extract_strided_slice %get3A_44 {offsets = [10], sizes = [1], strides = [1]} : vector<16xi32> to vector<1xi32>
        %squeeze3A_224 = vector.extract %slice3A_223[0] : i32 from vector<1xi32>
        %mul3A_225 = arith.constant 16 : i32
        %mul3A_226 = arith.muli %scan3A_37, %mul3A_225 : i32
        %add3A_227 = arith.constant 10 : i32
        %add3A_228 = arith.addi %mul3A_226, %add3A_227 : i32
        %dma_start3A_229 = arith.constant 0 : i32
        %dma_start3A_230 = tpu.memref_slice %arg8[%add3A_228, %dma_start3A_229] : memref<400x64xf32, #tpu.memory_space<vmem>> -> memref<1x64xf32, #tpu.memory_space<vmem>>
        %dma_start3A_231 = tpu.memref_squeeze %dma_start3A_230 : memref<1x64xf32, #tpu.memory_space<vmem>> -> memref<64xf32, #tpu.memory_space<vmem>>
        %dma_start3A_232 = arith.constant 0 : i32
        %dma_start3A_233 = tpu.memref_slice %arg3[%squeeze3A_224, %dma_start3A_232] : memref<1000000x64xf32, #tpu.memory_space<hbm>> -> memref<1x64xf32, #tpu.memory_space<hbm>>
        %dma_start3A_234 = tpu.memref_squeeze %dma_start3A_233 : memref<1x64xf32, #tpu.memory_space<hbm>> -> memref<64xf32, #tpu.memory_space<hbm>>
        %dma_start3A_235 = arith.constant 0 : i32
        %dma_start3A_236 = tpu.memref_slice %arg8[%add3A_228, %dma_start3A_235] : memref<400x64xf32, #tpu.memory_space<vmem>> -> memref<1x64xf32, #tpu.memory_space<vmem>>
        %dma_start3A_237 = tpu.memref_squeeze %dma_start3A_236 : memref<1x64xf32, #tpu.memory_space<vmem>> -> memref<64xf32, #tpu.memory_space<vmem>>
        %dma_start3A_238 = arith.constant 0 : i32
        %dma_start3A_239 = tpu.memref_slice %arg3[%squeeze3A_224, %dma_start3A_238] : memref<1000000x64xf32, #tpu.memory_space<hbm>> -> memref<1x64xf32, #tpu.memory_space<hbm>>
        %dma_start3A_240 = tpu.memref_squeeze %dma_start3A_239 : memref<1x64xf32, #tpu.memory_space<hbm>> -> memref<64xf32, #tpu.memory_space<hbm>>
        tpu.enqueue_dma source(%dma_start3A_240 : memref<64xf32, #tpu.memory_space<hbm>>) target(%dma_start3A_237 : memref<64xf32, #tpu.memory_space<vmem>>) target_semaphore(%arg9 : memref<!tpu.dma_semaphore, #tpu.memory_space<semaphore_mem>>)
        %slice3A_241 = vector.extract_strided_slice %get3A_44 {offsets = [11], sizes = [1], strides = [1]} : vector<16xi32> to vector<1xi32>
        %squeeze3A_242 = vector.extract %slice3A_241[0] : i32 from vector<1xi32>
        %mul3A_243 = arith.constant 16 : i32
        %mul3A_244 = arith.muli %scan3A_37, %mul3A_243 : i32
        %add3A_245 = arith.constant 11 : i32
        %add3A_246 = arith.addi %mul3A_244, %add3A_245 : i32
        %dma_start3A_247 = arith.constant 0 : i32
        %dma_start3A_248 = tpu.memref_slice %arg8[%add3A_246, %dma_start3A_247] : memref<400x64xf32, #tpu.memory_space<vmem>> -> memref<1x64xf32, #tpu.memory_space<vmem>>
        %dma_start3A_249 = tpu.memref_squeeze %dma_start3A_248 : memref<1x64xf32, #tpu.memory_space<vmem>> -> memref<64xf32, #tpu.memory_space<vmem>>
        %dma_start3A_250 = arith.constant 0 : i32
        %dma_start3A_251 = tpu.memref_slice %arg3[%squeeze3A_242, %dma_start3A_250] : memref<1000000x64xf32, #tpu.memory_space<hbm>> -> memref<1x64xf32, #tpu.memory_space<hbm>>
        %dma_start3A_252 = tpu.memref_squeeze %dma_start3A_251 : memref<1x64xf32, #tpu.memory_space<hbm>> -> memref<64xf32, #tpu.memory_space<hbm>>
        %dma_start3A_253 = arith.constant 0 : i32
        %dma_start3A_254 = tpu.memref_slice %arg8[%add3A_246, %dma_start3A_253] : memref<400x64xf32, #tpu.memory_space<vmem>> -> memref<1x64xf32, #tpu.memory_space<vmem>>
        %dma_start3A_255 = tpu.memref_squeeze %dma_start3A_254 : memref<1x64xf32, #tpu.memory_space<vmem>> -> memref<64xf32, #tpu.memory_space<vmem>>
        %dma_start3A_256 = arith.constant 0 : i32
        %dma_start3A_257 = tpu.memref_slice %arg3[%squeeze3A_242, %dma_start3A_256] : memref<1000000x64xf32, #tpu.memory_space<hbm>> -> memref<1x64xf32, #tpu.memory_space<hbm>>
        %dma_start3A_258 = tpu.memref_squeeze %dma_start3A_257 : memref<1x64xf32, #tpu.memory_space<hbm>> -> memref<64xf32, #tpu.memory_space<hbm>>
        tpu.enqueue_dma source(%dma_start3A_258 : memref<64xf32, #tpu.memory_space<hbm>>) target(%dma_start3A_255 : memref<64xf32, #tpu.memory_space<vmem>>) target_semaphore(%arg9 : memref<!tpu.dma_semaphore, #tpu.memory_space<semaphore_mem>>)
        %slice3A_259 = vector.extract_strided_slice %get3A_44 {offsets = [12], sizes = [1], strides = [1]} : vector<16xi32> to vector<1xi32>
        %squeeze3A_260 = vector.extract %slice3A_259[0] : i32 from vector<1xi32>
        %mul3A_261 = arith.constant 16 : i32
        %mul3A_262 = arith.muli %scan3A_37, %mul3A_261 : i32
        %add3A_263 = arith.constant 12 : i32
        %add3A_264 = arith.addi %mul3A_262, %add3A_263 : i32
        %dma_start3A_265 = arith.constant 0 : i32
        %dma_start3A_266 = tpu.memref_slice %arg8[%add3A_264, %dma_start3A_265] : memref<400x64xf32, #tpu.memory_space<vmem>> -> memref<1x64xf32, #tpu.memory_space<vmem>>
        %dma_start3A_267 = tpu.memref_squeeze %dma_start3A_266 : memref<1x64xf32, #tpu.memory_space<vmem>> -> memref<64xf32, #tpu.memory_space<vmem>>
        %dma_start3A_268 = arith.constant 0 : i32
        %dma_start3A_269 = tpu.memref_slice %arg3[%squeeze3A_260, %dma_start3A_268] : memref<1000000x64xf32, #tpu.memory_space<hbm>> -> memref<1x64xf32, #tpu.memory_space<hbm>>
        %dma_start3A_270 = tpu.memref_squeeze %dma_start3A_269 : memref<1x64xf32, #tpu.memory_space<hbm>> -> memref<64xf32, #tpu.memory_space<hbm>>
        %dma_start3A_271 = arith.constant 0 : i32
        %dma_start3A_272 = tpu.memref_slice %arg8[%add3A_264, %dma_start3A_271] : memref<400x64xf32, #tpu.memory_space<vmem>> -> memref<1x64xf32, #tpu.memory_space<vmem>>
        %dma_start3A_273 = tpu.memref_squeeze %dma_start3A_272 : memref<1x64xf32, #tpu.memory_space<vmem>> -> memref<64xf32, #tpu.memory_space<vmem>>
        %dma_start3A_274 = arith.constant 0 : i32
        %dma_start3A_275 = tpu.memref_slice %arg3[%squeeze3A_260, %dma_start3A_274] : memref<1000000x64xf32, #tpu.memory_space<hbm>> -> memref<1x64xf32, #tpu.memory_space<hbm>>
        %dma_start3A_276 = tpu.memref_squeeze %dma_start3A_275 : memref<1x64xf32, #tpu.memory_space<hbm>> -> memref<64xf32, #tpu.memory_space<hbm>>
        tpu.enqueue_dma source(%dma_start3A_276 : memref<64xf32, #tpu.memory_space<hbm>>) target(%dma_start3A_273 : memref<64xf32, #tpu.memory_space<vmem>>) target_semaphore(%arg9 : memref<!tpu.dma_semaphore, #tpu.memory_space<semaphore_mem>>)
        %slice3A_277 = vector.extract_strided_slice %get3A_44 {offsets = [13], sizes = [1], strides = [1]} : vector<16xi32> to vector<1xi32>
        %squeeze3A_278 = vector.extract %slice3A_277[0] : i32 from vector<1xi32>
        %mul3A_279 = arith.constant 16 : i32
        %mul3A_280 = arith.muli %scan3A_37, %mul3A_279 : i32
        %add3A_281 = arith.constant 13 : i32
        %add3A_282 = arith.addi %mul3A_280, %add3A_281 : i32
        %dma_start3A_283 = arith.constant 0 : i32
        %dma_start3A_284 = tpu.memref_slice %arg8[%add3A_282, %dma_start3A_283] : memref<400x64xf32, #tpu.memory_space<vmem>> -> memref<1x64xf32, #tpu.memory_space<vmem>>
        %dma_start3A_285 = tpu.memref_squeeze %dma_start3A_284 : memref<1x64xf32, #tpu.memory_space<vmem>> -> memref<64xf32, #tpu.memory_space<vmem>>
        %dma_start3A_286 = arith.constant 0 : i32
        %dma_start3A_287 = tpu.memref_slice %arg3[%squeeze3A_278, %dma_start3A_286] : memref<1000000x64xf32, #tpu.memory_space<hbm>> -> memref<1x64xf32, #tpu.memory_space<hbm>>
        %dma_start3A_288 = tpu.memref_squeeze %dma_start3A_287 : memref<1x64xf32, #tpu.memory_space<hbm>> -> memref<64xf32, #tpu.memory_space<hbm>>
        %dma_start3A_289 = arith.constant 0 : i32
        %dma_start3A_290 = tpu.memref_slice %arg8[%add3A_282, %dma_start3A_289] : memref<400x64xf32, #tpu.memory_space<vmem>> -> memref<1x64xf32, #tpu.memory_space<vmem>>
        %dma_start3A_291 = tpu.memref_squeeze %dma_start3A_290 : memref<1x64xf32, #tpu.memory_space<vmem>> -> memref<64xf32, #tpu.memory_space<vmem>>
        %dma_start3A_292 = arith.constant 0 : i32
        %dma_start3A_293 = tpu.memref_slice %arg3[%squeeze3A_278, %dma_start3A_292] : memref<1000000x64xf32, #tpu.memory_space<hbm>> -> memref<1x64xf32, #tpu.memory_space<hbm>>
        %dma_start3A_294 = tpu.memref_squeeze %dma_start3A_293 : memref<1x64xf32, #tpu.memory_space<hbm>> -> memref<64xf32, #tpu.memory_space<hbm>>
        tpu.enqueue_dma source(%dma_start3A_294 : memref<64xf32, #tpu.memory_space<hbm>>) target(%dma_start3A_291 : memref<64xf32, #tpu.memory_space<vmem>>) target_semaphore(%arg9 : memref<!tpu.dma_semaphore, #tpu.memory_space<semaphore_mem>>)
        %slice3A_295 = vector.extract_strided_slice %get3A_44 {offsets = [14], sizes = [1], strides = [1]} : vector<16xi32> to vector<1xi32>
        %squeeze3A_296 = vector.extract %slice3A_295[0] : i32 from vector<1xi32>
        %mul3A_297 = arith.constant 16 : i32
        %mul3A_298 = arith.muli %scan3A_37, %mul3A_297 : i32
        %add3A_299 = arith.constant 14 : i32
        %add3A_300 = arith.addi %mul3A_298, %add3A_299 : i32
        %dma_start3A_301 = arith.constant 0 : i32
        %dma_start3A_302 = tpu.memref_slice %arg8[%add3A_300, %dma_start3A_301] : memref<400x64xf32, #tpu.memory_space<vmem>> -> memref<1x64xf32, #tpu.memory_space<vmem>>
        %dma_start3A_303 = tpu.memref_squeeze %dma_start3A_302 : memref<1x64xf32, #tpu.memory_space<vmem>> -> memref<64xf32, #tpu.memory_space<vmem>>
        %dma_start3A_304 = arith.constant 0 : i32
        %dma_start3A_305 = tpu.memref_slice %arg3[%squeeze3A_296, %dma_start3A_304] : memref<1000000x64xf32, #tpu.memory_space<hbm>> -> memref<1x64xf32, #tpu.memory_space<hbm>>
        %dma_start3A_306 = tpu.memref_squeeze %dma_start3A_305 : memref<1x64xf32, #tpu.memory_space<hbm>> -> memref<64xf32, #tpu.memory_space<hbm>>
        %dma_start3A_307 = arith.constant 0 : i32
        %dma_start3A_308 = tpu.memref_slice %arg8[%add3A_300, %dma_start3A_307] : memref<400x64xf32, #tpu.memory_space<vmem>> -> memref<1x64xf32, #tpu.memory_space<vmem>>
        %dma_start3A_309 = tpu.memref_squeeze %dma_start3A_308 : memref<1x64xf32, #tpu.memory_space<vmem>> -> memref<64xf32, #tpu.memory_space<vmem>>
        %dma_start3A_310 = arith.constant 0 : i32
        %dma_start3A_311 = tpu.memref_slice %arg3[%squeeze3A_296, %dma_start3A_310] : memref<1000000x64xf32, #tpu.memory_space<hbm>> -> memref<1x64xf32, #tpu.memory_space<hbm>>
        %dma_start3A_312 = tpu.memref_squeeze %dma_start3A_311 : memref<1x64xf32, #tpu.memory_space<hbm>> -> memref<64xf32, #tpu.memory_space<hbm>>
        tpu.enqueue_dma source(%dma_start3A_312 : memref<64xf32, #tpu.memory_space<hbm>>) target(%dma_start3A_309 : memref<64xf32, #tpu.memory_space<vmem>>) target_semaphore(%arg9 : memref<!tpu.dma_semaphore, #tpu.memory_space<semaphore_mem>>)
        %slice3A_313 = vector.extract_strided_slice %get3A_44 {offsets = [15], sizes = [1], strides = [1]} : vector<16xi32> to vector<1xi32>
        %squeeze3A_314 = vector.extract %slice3A_313[0] : i32 from vector<1xi32>
        %mul3A_315 = arith.constant 16 : i32
        %mul3A_316 = arith.muli %scan3A_37, %mul3A_315 : i32
        %add3A_317 = arith.constant 15 : i32
        %add3A_318 = arith.addi %mul3A_316, %add3A_317 : i32
        %dma_start3A_319 = arith.constant 0 : i32
        %dma_start3A_320 = tpu.memref_slice %arg8[%add3A_318, %dma_start3A_319] : memref<400x64xf32, #tpu.memory_space<vmem>> -> memref<1x64xf32, #tpu.memory_space<vmem>>
        %dma_start3A_321 = tpu.memref_squeeze %dma_start3A_320 : memref<1x64xf32, #tpu.memory_space<vmem>> -> memref<64xf32, #tpu.memory_space<vmem>>
        %dma_start3A_322 = arith.constant 0 : i32
        %dma_start3A_323 = tpu.memref_slice %arg3[%squeeze3A_314, %dma_start3A_322] : memref<1000000x64xf32, #tpu.memory_space<hbm>> -> memref<1x64xf32, #tpu.memory_space<hbm>>
        %dma_start3A_324 = tpu.memref_squeeze %dma_start3A_323 : memref<1x64xf32, #tpu.memory_space<hbm>> -> memref<64xf32, #tpu.memory_space<hbm>>
        %dma_start3A_325 = arith.constant 0 : i32
        %dma_start3A_326 = tpu.memref_slice %arg8[%add3A_318, %dma_start3A_325] : memref<400x64xf32, #tpu.memory_space<vmem>> -> memref<1x64xf32, #tpu.memory_space<vmem>>
        %dma_start3A_327 = tpu.memref_squeeze %dma_start3A_326 : memref<1x64xf32, #tpu.memory_space<vmem>> -> memref<64xf32, #tpu.memory_space<vmem>>
        %dma_start3A_328 = arith.constant 0 : i32
        %dma_start3A_329 = tpu.memref_slice %arg3[%squeeze3A_314, %dma_start3A_328] : memref<1000000x64xf32, #tpu.memory_space<hbm>> -> memref<1x64xf32, #tpu.memory_space<hbm>>
        %dma_start3A_330 = tpu.memref_squeeze %dma_start3A_329 : memref<1x64xf32, #tpu.memory_space<hbm>> -> memref<64xf32, #tpu.memory_space<hbm>>
        tpu.enqueue_dma source(%dma_start3A_330 : memref<64xf32, #tpu.memory_space<hbm>>) target(%dma_start3A_327 : memref<64xf32, #tpu.memory_space<vmem>>) target_semaphore(%arg9 : memref<!tpu.dma_semaphore, #tpu.memory_space<semaphore_mem>>)
      }
      %scan3A_14 = arith.constant 25 : i32
      %dma_wait3A = arith.constant 0 : i32
      %dma_wait3A_15 = arith.constant 0 : i32
      %dma_wait3A_16 = tpu.memref_slice %arg5[%dma_wait3A, %dma_wait3A_15] : memref<204800x64xf32, #tpu.memory_space<hbm>> -> memref<400x64xf32, #tpu.memory_space<hbm>>
      %dma_wait3A_17 = arith.constant 0 : i32
      %dma_wait3A_18 = arith.constant 0 : i32
      %dma_wait3A_19 = tpu.memref_slice %arg5[%dma_wait3A_17, %dma_wait3A_18] : memref<204800x64xf32, #tpu.memory_space<hbm>> -> memref<400x64xf32, #tpu.memory_space<hbm>>
      tpu.wait_dma2 semaphore(%arg9 : memref<!tpu.dma_semaphore, #tpu.memory_space<semaphore_mem>>) src(%dma_wait3A_19 : memref<400x64xf32, #tpu.memory_space<hbm>>) dst(%arg8 : memref<400x64xf32, #tpu.memory_space<vmem>>)
      %scan3A_20 = arith.constant 0 : i32
      %scan3A_21 = arith.constant 0 : i32
      %scan3A_22 = arith.constant 100 : i32
      %scan3A_23 = arith.addi %scan3A_21, %scan3A_22 : i32
      %scan3A_24 = arith.constant 1 : i32
      scf.for %scan3A_37 = %scan3A_21 to %scan3A_23 step %scan3A_24  : i32 {
        %mul3A_38 = arith.constant 2 : i32
        %mul3A_39 = arith.muli %scan3A_37, %mul3A_38 : i32
        %add3A_40 = arith.constant 0 : i32
        %add3A_41 = arith.addi %mul3A_39, %add3A_40 : i32
        %get3A = arith.index_cast %add3A_41 : i32 to index
        %get3A_42 = arith.constant 0 : index
        %get3A_43 = tpu.vector_load %arg7[%get3A, %get3A_42] {strides = array<i32>} : memref<200x64xf32, #tpu.memory_space<vmem>>, vector<1x16xf32>,
        %get3A_44 = vector.shape_cast %get3A_43 : vector<1x16xf32> to vector<16xf32>
        %add3A_45 = arith.constant 0 : i32
        %add3A_46 = arith.addi %add3A_45, %add3A_41 : i32
        %get3A_47 = arith.index_cast %add3A_46 : i32 to index
        %get3A_48 = arith.constant 0 : index
        %get3A_49 = tpu.vector_load %arg8[%get3A_47, %get3A_48] {strides = array<i32>} : memref<400x64xf32, #tpu.memory_space<vmem>>, vector<1x16xf32>,
        %get3A_50 = vector.shape_cast %get3A_49 : vector<1x16xf32> to vector<16xf32>
        %add3A_51 = arith.addf %get3A_50, %get3A_44 : vector<16xf32>
        %swap3A = arith.index_cast %add3A_46 : i32 to index
        %swap3A_52 = arith.constant 0 : index
        %swap3A_53 = tpu.vector_load %arg8[%swap3A, %swap3A_52] {strides = array<i32>} : memref<400x64xf32, #tpu.memory_space<vmem>>, vector<1x16xf32>,
        %swap3A_54 = vector.shape_cast %swap3A_53 : vector<1x16xf32> to vector<16xf32>
        %swap3A_55 = vector.shape_cast %add3A_51 : vector<16xf32> to vector<1x16xf32>
        tpu.vector_store %arg8[%swap3A, %swap3A_52], %swap3A_55 {strides = array<i32>} : memref<400x64xf32, #tpu.memory_space<vmem>>, vector<1x16xf32>,
        %add3A_56 = arith.constant 200 : i32
        %add3A_57 = arith.addi %add3A_56, %add3A_41 : i32
        %get3A_58 = arith.index_cast %add3A_57 : i32 to index
        %get3A_59 = arith.constant 0 : index
        %get3A_60 = tpu.vector_load %arg8[%get3A_58, %get3A_59] {strides = array<i32>} : memref<400x64xf32, #tpu.memory_space<vmem>>, vector<1x16xf32>,
        %get3A_61 = vector.shape_cast %get3A_60 : vector<1x16xf32> to vector<16xf32>
        %add3A_62 = arith.addf %get3A_61, %get3A_44 : vector<16xf32>
        %swap3A_63 = arith.index_cast %add3A_57 : i32 to index
        %swap3A_64 = arith.constant 0 : index
        %swap3A_65 = tpu.vector_load %arg8[%swap3A_63, %swap3A_64] {strides = array<i32>} : memref<400x64xf32, #tpu.memory_space<vmem>>, vector<1x16xf32>,
        %swap3A_66 = vector.shape_cast %swap3A_65 : vector<1x16xf32> to vector<16xf32>
        %swap3A_67 = vector.shape_cast %add3A_62 : vector<16xf32> to vector<1x16xf32>
        tpu.vector_store %arg8[%swap3A_63, %swap3A_64], %swap3A_67 {strides = array<i32>} : memref<400x64xf32, #tpu.memory_space<vmem>>, vector<1x16xf32>,
        %get3A_68 = arith.index_cast %add3A_41 : i32 to index
        %get3A_69 = arith.constant 16 : index
        %get3A_70 = tpu.vector_load %arg7[%get3A_68, %get3A_69] {strides = array<i32>} : memref<200x64xf32, #tpu.memory_space<vmem>>, vector<1x16xf32>,
        %get3A_71 = vector.shape_cast %get3A_70 : vector<1x16xf32> to vector<16xf32>
        %add3A_72 = arith.constant 0 : i32
        %add3A_73 = arith.addi %add3A_72, %add3A_41 : i32
        %get3A_74 = arith.index_cast %add3A_73 : i32 to index
        %get3A_75 = arith.constant 16 : index
        %get3A_76 = tpu.vector_load %arg8[%get3A_74, %get3A_75] {strides = array<i32>} : memref<400x64xf32, #tpu.memory_space<vmem>>, vector<1x16xf32>,
        %get3A_77 = vector.shape_cast %get3A_76 : vector<1x16xf32> to vector<16xf32>
        %add3A_78 = arith.addf %get3A_77, %get3A_71 : vector<16xf32>
        %swap3A_79 = arith.index_cast %add3A_73 : i32 to index
        %swap3A_80 = arith.constant 16 : index
        %swap3A_81 = tpu.vector_load %arg8[%swap3A_79, %swap3A_80] {strides = array<i32>} : memref<400x64xf32, #tpu.memory_space<vmem>>, vector<1x16xf32>,
        %swap3A_82 = vector.shape_cast %swap3A_81 : vector<1x16xf32> to vector<16xf32>
        %swap3A_83 = vector.shape_cast %add3A_78 : vector<16xf32> to vector<1x16xf32>
        tpu.vector_store %arg8[%swap3A_79, %swap3A_80], %swap3A_83 {strides = array<i32>} : memref<400x64xf32, #tpu.memory_space<vmem>>, vector<1x16xf32>,
        %add3A_84 = arith.constant 200 : i32
        %add3A_85 = arith.addi %add3A_84, %add3A_41 : i32
        %get3A_86 = arith.index_cast %add3A_85 : i32 to index
        %get3A_87 = arith.constant 16 : index
        %get3A_88 = tpu.vector_load %arg8[%get3A_86, %get3A_87] {strides = array<i32>} : memref<400x64xf32, #tpu.memory_space<vmem>>, vector<1x16xf32>,
        %get3A_89 = vector.shape_cast %get3A_88 : vector<1x16xf32> to vector<16xf32>
        %add3A_90 = arith.addf %get3A_89, %get3A_71 : vector<16xf32>
        %swap3A_91 = arith.index_cast %add3A_85 : i32 to index
        %swap3A_92 = arith.constant 16 : index
        %swap3A_93 = tpu.vector_load %arg8[%swap3A_91, %swap3A_92] {strides = array<i32>} : memref<400x64xf32, #tpu.memory_space<vmem>>, vector<1x16xf32>,
        %swap3A_94 = vector.shape_cast %swap3A_93 : vector<1x16xf32> to vector<16xf32>
        %swap3A_95 = vector.shape_cast %add3A_90 : vector<16xf32> to vector<1x16xf32>
        tpu.vector_store %arg8[%swap3A_91, %swap3A_92], %swap3A_95 {strides = array<i32>} : memref<400x64xf32, #tpu.memory_space<vmem>>, vector<1x16xf32>,
        %get3A_96 = arith.index_cast %add3A_41 : i32 to index
        %get3A_97 = arith.constant 32 : index
        %get3A_98 = tpu.vector_load %arg7[%get3A_96, %get3A_97] {strides = array<i32>} : memref<200x64xf32, #tpu.memory_space<vmem>>, vector<1x16xf32>,
        %get3A_99 = vector.shape_cast %get3A_98 : vector<1x16xf32> to vector<16xf32>
        %add3A_100 = arith.constant 0 : i32
        %add3A_101 = arith.addi %add3A_100, %add3A_41 : i32
        %get3A_102 = arith.index_cast %add3A_101 : i32 to index
        %get3A_103 = arith.constant 32 : index
        %get3A_104 = tpu.vector_load %arg8[%get3A_102, %get3A_103] {strides = array<i32>} : memref<400x64xf32, #tpu.memory_space<vmem>>, vector<1x16xf32>,
        %get3A_105 = vector.shape_cast %get3A_104 : vector<1x16xf32> to vector<16xf32>
        %add3A_106 = arith.addf %get3A_105, %get3A_99 : vector<16xf32>
        %swap3A_107 = arith.index_cast %add3A_101 : i32 to index
        %swap3A_108 = arith.constant 32 : index
        %swap3A_109 = tpu.vector_load %arg8[%swap3A_107, %swap3A_108] {strides = array<i32>} : memref<400x64xf32, #tpu.memory_space<vmem>>, vector<1x16xf32>,
        %swap3A_110 = vector.shape_cast %swap3A_109 : vector<1x16xf32> to vector<16xf32>
        %swap3A_111 = vector.shape_cast %add3A_106 : vector<16xf32> to vector<1x16xf32>
        tpu.vector_store %arg8[%swap3A_107, %swap3A_108], %swap3A_111 {strides = array<i32>} : memref<400x64xf32, #tpu.memory_space<vmem>>, vector<1x16xf32>,
        %add3A_112 = arith.constant 200 : i32
        %add3A_113 = arith.addi %add3A_112, %add3A_41 : i32
        %get3A_114 = arith.index_cast %add3A_113 : i32 to index
        %get3A_115 = arith.constant 32 : index
        %get3A_116 = tpu.vector_load %arg8[%get3A_114, %get3A_115] {strides = array<i32>} : memref<400x64xf32, #tpu.memory_space<vmem>>, vector<1x16xf32>,
        %get3A_117 = vector.shape_cast %get3A_116 : vector<1x16xf32> to vector<16xf32>
        %add3A_118 = arith.addf %get3A_117, %get3A_99 : vector<16xf32>
        %swap3A_119 = arith.index_cast %add3A_113 : i32 to index
        %swap3A_120 = arith.constant 32 : index
        %swap3A_121 = tpu.vector_load %arg8[%swap3A_119, %swap3A_120] {strides = array<i32>} : memref<400x64xf32, #tpu.memory_space<vmem>>, vector<1x16xf32>,
        %swap3A_122 = vector.shape_cast %swap3A_121 : vector<1x16xf32> to vector<16xf32>
        %swap3A_123 = vector.shape_cast %add3A_118 : vector<16xf32> to vector<1x16xf32>
        tpu.vector_store %arg8[%swap3A_119, %swap3A_120], %swap3A_123 {strides = array<i32>} : memref<400x64xf32, #tpu.memory_space<vmem>>, vector<1x16xf32>,
        %get3A_124 = arith.index_cast %add3A_41 : i32 to index
        %get3A_125 = arith.constant 48 : index
        %get3A_126 = tpu.vector_load %arg7[%get3A_124, %get3A_125] {strides = array<i32>} : memref<200x64xf32, #tpu.memory_space<vmem>>, vector<1x16xf32>,
        %get3A_127 = vector.shape_cast %get3A_126 : vector<1x16xf32> to vector<16xf32>
        %add3A_128 = arith.constant 0 : i32
        %add3A_129 = arith.addi %add3A_128, %add3A_41 : i32
        %get3A_130 = arith.index_cast %add3A_129 : i32 to index
        %get3A_131 = arith.constant 48 : index
        %get3A_132 = tpu.vector_load %arg8[%get3A_130, %get3A_131] {strides = array<i32>} : memref<400x64xf32, #tpu.memory_space<vmem>>, vector<1x16xf32>,
        %get3A_133 = vector.shape_cast %get3A_132 : vector<1x16xf32> to vector<16xf32>
        %add3A_134 = arith.addf %get3A_133, %get3A_127 : vector<16xf32>
        %swap3A_135 = arith.index_cast %add3A_129 : i32 to index
        %swap3A_136 = arith.constant 48 : index
        %swap3A_137 = tpu.vector_load %arg8[%swap3A_135, %swap3A_136] {strides = array<i32>} : memref<400x64xf32, #tpu.memory_space<vmem>>, vector<1x16xf32>,
        %swap3A_138 = vector.shape_cast %swap3A_137 : vector<1x16xf32> to vector<16xf32>
        %swap3A_139 = vector.shape_cast %add3A_134 : vector<16xf32> to vector<1x16xf32>
        tpu.vector_store %arg8[%swap3A_135, %swap3A_136], %swap3A_139 {strides = array<i32>} : memref<400x64xf32, #tpu.memory_space<vmem>>, vector<1x16xf32>,
        %add3A_140 = arith.constant 200 : i32
        %add3A_141 = arith.addi %add3A_140, %add3A_41 : i32
        %get3A_142 = arith.index_cast %add3A_141 : i32 to index
        %get3A_143 = arith.constant 48 : index
        %get3A_144 = tpu.vector_load %arg8[%get3A_142, %get3A_143] {strides = array<i32>} : memref<400x64xf32, #tpu.memory_space<vmem>>, vector<1x16xf32>,
        %get3A_145 = vector.shape_cast %get3A_144 : vector<1x16xf32> to vector<16xf32>
        %add3A_146 = arith.addf %get3A_145, %get3A_127 : vector<16xf32>
        %swap3A_147 = arith.index_cast %add3A_141 : i32 to index
        %swap3A_148 = arith.constant 48 : index
        %swap3A_149 = tpu.vector_load %arg8[%swap3A_147, %swap3A_148] {strides = array<i32>} : memref<400x64xf32, #tpu.memory_space<vmem>>, vector<1x16xf32>,
        %swap3A_150 = vector.shape_cast %swap3A_149 : vector<1x16xf32> to vector<16xf32>
        %swap3A_151 = vector.shape_cast %add3A_146 : vector<16xf32> to vector<1x16xf32>
        tpu.vector_store %arg8[%swap3A_147, %swap3A_148], %swap3A_151 {strides = array<i32>} : memref<400x64xf32, #tpu.memory_space<vmem>>, vector<1x16xf32>,
        %mul3A_152 = arith.constant 2 : i32
        %mul3A_153 = arith.muli %scan3A_37, %mul3A_152 : i32
        %add3A_154 = arith.constant 1 : i32
        %add3A_155 = arith.addi %mul3A_153, %add3A_154 : i32
        %get3A_156 = arith.index_cast %add3A_155 : i32 to index
        %get3A_157 = arith.constant 0 : index
        %get3A_158 = tpu.vector_load %arg7[%get3A_156, %get3A_157] {strides = array<i32>} : memref<200x64xf32, #tpu.memory_space<vmem>>, vector<1x16xf32>,
        %get3A_159 = vector.shape_cast %get3A_158 : vector<1x16xf32> to vector<16xf32>
        %add3A_160 = arith.constant 0 : i32
        %add3A_161 = arith.addi %add3A_160, %add3A_155 : i32
        %get3A_162 = arith.index_cast %add3A_161 : i32 to index
        %get3A_163 = arith.constant 0 : index
        %get3A_164 = tpu.vector_load %arg8[%get3A_162, %get3A_163] {strides = array<i32>} : memref<400x64xf32, #tpu.memory_space<vmem>>, vector<1x16xf32>,
        %get3A_165 = vector.shape_cast %get3A_164 : vector<1x16xf32> to vector<16xf32>
        %add3A_166 = arith.addf %get3A_165, %get3A_159 : vector<16xf32>
        %swap3A_167 = arith.index_cast %add3A_161 : i32 to index
        %swap3A_168 = arith.constant 0 : index
        %swap3A_169 = tpu.vector_load %arg8[%swap3A_167, %swap3A_168] {strides = array<i32>} : memref<400x64xf32, #tpu.memory_space<vmem>>, vector<1x16xf32>,
        %swap3A_170 = vector.shape_cast %swap3A_169 : vector<1x16xf32> to vector<16xf32>
        %swap3A_171 = vector.shape_cast %add3A_166 : vector<16xf32> to vector<1x16xf32>
        tpu.vector_store %arg8[%swap3A_167, %swap3A_168], %swap3A_171 {strides = array<i32>} : memref<400x64xf32, #tpu.memory_space<vmem>>, vector<1x16xf32>,
        %add3A_172 = arith.constant 200 : i32
        %add3A_173 = arith.addi %add3A_172, %add3A_155 : i32
        %get3A_174 = arith.index_cast %add3A_173 : i32 to index
        %get3A_175 = arith.constant 0 : index
        %get3A_176 = tpu.vector_load %arg8[%get3A_174, %get3A_175] {strides = array<i32>} : memref<400x64xf32, #tpu.memory_space<vmem>>, vector<1x16xf32>,
        %get3A_177 = vector.shape_cast %get3A_176 : vector<1x16xf32> to vector<16xf32>
        %add3A_178 = arith.addf %get3A_177, %get3A_159 : vector<16xf32>
        %swap3A_179 = arith.index_cast %add3A_173 : i32 to index
        %swap3A_180 = arith.constant 0 : index
        %swap3A_181 = tpu.vector_load %arg8[%swap3A_179, %swap3A_180] {strides = array<i32>} : memref<400x64xf32, #tpu.memory_space<vmem>>, vector<1x16xf32>,
        %swap3A_182 = vector.shape_cast %swap3A_181 : vector<1x16xf32> to vector<16xf32>
        %swap3A_183 = vector.shape_cast %add3A_178 : vector<16xf32> to vector<1x16xf32>
        tpu.vector_store %arg8[%swap3A_179, %swap3A_180], %swap3A_183 {strides = array<i32>} : memref<400x64xf32, #tpu.memory_space<vmem>>, vector<1x16xf32>,
        %get3A_184 = arith.index_cast %add3A_155 : i32 to index
        %get3A_185 = arith.constant 16 : index
        %get3A_186 = tpu.vector_load %arg7[%get3A_184, %get3A_185] {strides = array<i32>} : memref<200x64xf32, #tpu.memory_space<vmem>>, vector<1x16xf32>,
        %get3A_187 = vector.shape_cast %get3A_186 : vector<1x16xf32> to vector<16xf32>
        %add3A_188 = arith.constant 0 : i32
        %add3A_189 = arith.addi %add3A_188, %add3A_155 : i32
        %get3A_190 = arith.index_cast %add3A_189 : i32 to index
        %get3A_191 = arith.constant 16 : index
        %get3A_192 = tpu.vector_load %arg8[%get3A_190, %get3A_191] {strides = array<i32>} : memref<400x64xf32, #tpu.memory_space<vmem>>, vector<1x16xf32>,
        %get3A_193 = vector.shape_cast %get3A_192 : vector<1x16xf32> to vector<16xf32>
        %add3A_194 = arith.addf %get3A_193, %get3A_187 : vector<16xf32>
        %swap3A_195 = arith.index_cast %add3A_189 : i32 to index
        %swap3A_196 = arith.constant 16 : index
        %swap3A_197 = tpu.vector_load %arg8[%swap3A_195, %swap3A_196] {strides = array<i32>} : memref<400x64xf32, #tpu.memory_space<vmem>>, vector<1x16xf32>,
        %swap3A_198 = vector.shape_cast %swap3A_197 : vector<1x16xf32> to vector<16xf32>
        %swap3A_199 = vector.shape_cast %add3A_194 : vector<16xf32> to vector<1x16xf32>
        tpu.vector_store %arg8[%swap3A_195, %swap3A_196], %swap3A_199 {strides = array<i32>} : memref<400x64xf32, #tpu.memory_space<vmem>>, vector<1x16xf32>,
        %add3A_200 = arith.constant 200 : i32
        %add3A_201 = arith.addi %add3A_200, %add3A_155 : i32
        %get3A_202 = arith.index_cast %add3A_201 : i32 to index
        %get3A_203 = arith.constant 16 : index
        %get3A_204 = tpu.vector_load %arg8[%get3A_202, %get3A_203] {strides = array<i32>} : memref<400x64xf32, #tpu.memory_space<vmem>>, vector<1x16xf32>,
        %get3A_205 = vector.shape_cast %get3A_204 : vector<1x16xf32> to vector<16xf32>
        %add3A_206 = arith.addf %get3A_205, %get3A_187 : vector<16xf32>
        %swap3A_207 = arith.index_cast %add3A_201 : i32 to index
        %swap3A_208 = arith.constant 16 : index
        %swap3A_209 = tpu.vector_load %arg8[%swap3A_207, %swap3A_208] {strides = array<i32>} : memref<400x64xf32, #tpu.memory_space<vmem>>, vector<1x16xf32>,
        %swap3A_210 = vector.shape_cast %swap3A_209 : vector<1x16xf32> to vector<16xf32>
        %swap3A_211 = vector.shape_cast %add3A_206 : vector<16xf32> to vector<1x16xf32>
        tpu.vector_store %arg8[%swap3A_207, %swap3A_208], %swap3A_211 {strides = array<i32>} : memref<400x64xf32, #tpu.memory_space<vmem>>, vector<1x16xf32>,
        %get3A_212 = arith.index_cast %add3A_155 : i32 to index
        %get3A_213 = arith.constant 32 : index
        %get3A_214 = tpu.vector_load %arg7[%get3A_212, %get3A_213] {strides = array<i32>} : memref<200x64xf32, #tpu.memory_space<vmem>>, vector<1x16xf32>,
        %get3A_215 = vector.shape_cast %get3A_214 : vector<1x16xf32> to vector<16xf32>
        %add3A_216 = arith.constant 0 : i32
        %add3A_217 = arith.addi %add3A_216, %add3A_155 : i32
        %get3A_218 = arith.index_cast %add3A_217 : i32 to index
        %get3A_219 = arith.constant 32 : index
        %get3A_220 = tpu.vector_load %arg8[%get3A_218, %get3A_219] {strides = array<i32>} : memref<400x64xf32, #tpu.memory_space<vmem>>, vector<1x16xf32>,
        %get3A_221 = vector.shape_cast %get3A_220 : vector<1x16xf32> to vector<16xf32>
        %add3A_222 = arith.addf %get3A_221, %get3A_215 : vector<16xf32>
        %swap3A_223 = arith.index_cast %add3A_217 : i32 to index
        %swap3A_224 = arith.constant 32 : index
        %swap3A_225 = tpu.vector_load %arg8[%swap3A_223, %swap3A_224] {strides = array<i32>} : memref<400x64xf32, #tpu.memory_space<vmem>>, vector<1x16xf32>,
        %swap3A_226 = vector.shape_cast %swap3A_225 : vector<1x16xf32> to vector<16xf32>
        %swap3A_227 = vector.shape_cast %add3A_222 : vector<16xf32> to vector<1x16xf32>
        tpu.vector_store %arg8[%swap3A_223, %swap3A_224], %swap3A_227 {strides = array<i32>} : memref<400x64xf32, #tpu.memory_space<vmem>>, vector<1x16xf32>,
        %add3A_228 = arith.constant 200 : i32
        %add3A_229 = arith.addi %add3A_228, %add3A_155 : i32
        %get3A_230 = arith.index_cast %add3A_229 : i32 to index
        %get3A_231 = arith.constant 32 : index
        %get3A_232 = tpu.vector_load %arg8[%get3A_230, %get3A_231] {strides = array<i32>} : memref<400x64xf32, #tpu.memory_space<vmem>>, vector<1x16xf32>,
        %get3A_233 = vector.shape_cast %get3A_232 : vector<1x16xf32> to vector<16xf32>
        %add3A_234 = arith.addf %get3A_233, %get3A_215 : vector<16xf32>
        %swap3A_235 = arith.index_cast %add3A_229 : i32 to index
        %swap3A_236 = arith.constant 32 : index
        %swap3A_237 = tpu.vector_load %arg8[%swap3A_235, %swap3A_236] {strides = array<i32>} : memref<400x64xf32, #tpu.memory_space<vmem>>, vector<1x16xf32>,
        %swap3A_238 = vector.shape_cast %swap3A_237 : vector<1x16xf32> to vector<16xf32>
        %swap3A_239 = vector.shape_cast %add3A_234 : vector<16xf32> to vector<1x16xf32>
        tpu.vector_store %arg8[%swap3A_235, %swap3A_236], %swap3A_239 {strides = array<i32>} : memref<400x64xf32, #tpu.memory_space<vmem>>, vector<1x16xf32>,
        %get3A_240 = arith.index_cast %add3A_155 : i32 to index
        %get3A_241 = arith.constant 48 : index
        %get3A_242 = tpu.vector_load %arg7[%get3A_240, %get3A_241] {strides = array<i32>} : memref<200x64xf32, #tpu.memory_space<vmem>>, vector<1x16xf32>,
        %get3A_243 = vector.shape_cast %get3A_242 : vector<1x16xf32> to vector<16xf32>
        %add3A_244 = arith.constant 0 : i32
        %add3A_245 = arith.addi %add3A_244, %add3A_155 : i32
        %get3A_246 = arith.index_cast %add3A_245 : i32 to index
        %get3A_247 = arith.constant 48 : index
        %get3A_248 = tpu.vector_load %arg8[%get3A_246, %get3A_247] {strides = array<i32>} : memref<400x64xf32, #tpu.memory_space<vmem>>, vector<1x16xf32>,
        %get3A_249 = vector.shape_cast %get3A_248 : vector<1x16xf32> to vector<16xf32>
        %add3A_250 = arith.addf %get3A_249, %get3A_243 : vector<16xf32>
        %swap3A_251 = arith.index_cast %add3A_245 : i32 to index
        %swap3A_252 = arith.constant 48 : index
        %swap3A_253 = tpu.vector_load %arg8[%swap3A_251, %swap3A_252] {strides = array<i32>} : memref<400x64xf32, #tpu.memory_space<vmem>>, vector<1x16xf32>,
        %swap3A_254 = vector.shape_cast %swap3A_253 : vector<1x16xf32> to vector<16xf32>
        %swap3A_255 = vector.shape_cast %add3A_250 : vector<16xf32> to vector<1x16xf32>
        tpu.vector_store %arg8[%swap3A_251, %swap3A_252], %swap3A_255 {strides = array<i32>} : memref<400x64xf32, #tpu.memory_space<vmem>>, vector<1x16xf32>,
        %add3A_256 = arith.constant 200 : i32
        %add3A_257 = arith.addi %add3A_256, %add3A_155 : i32
        %get3A_258 = arith.index_cast %add3A_257 : i32 to index
        %get3A_259 = arith.constant 48 : index
        %get3A_260 = tpu.vector_load %arg8[%get3A_258, %get3A_259] {strides = array<i32>} : memref<400x64xf32, #tpu.memory_space<vmem>>, vector<1x16xf32>,
        %get3A_261 = vector.shape_cast %get3A_260 : vector<1x16xf32> to vector<16xf32>
        %add3A_262 = arith.addf %get3A_261, %get3A_243 : vector<16xf32>
        %swap3A_263 = arith.index_cast %add3A_257 : i32 to index
        %swap3A_264 = arith.constant 48 : index
        %swap3A_265 = tpu.vector_load %arg8[%swap3A_263, %swap3A_264] {strides = array<i32>} : memref<400x64xf32, #tpu.memory_space<vmem>>, vector<1x16xf32>,
        %swap3A_266 = vector.shape_cast %swap3A_265 : vector<1x16xf32> to vector<16xf32>
        %swap3A_267 = vector.shape_cast %add3A_262 : vector<16xf32> to vector<1x16xf32>
        tpu.vector_store %arg8[%swap3A_263, %swap3A_264], %swap3A_267 {strides = array<i32>} : memref<400x64xf32, #tpu.memory_space<vmem>>, vector<1x16xf32>,
      }
      %scan3A_25 = arith.constant 100 : i32
      %mul3A_26 = arith.constant 400 : i32
      %mul3A_27 = arith.muli %scan3A_8, %mul3A_26 : i32
      %add3A_28 = arith.addi %multiple_of3A, %mul3A_27 : i32
      %multiple_of3A_29 = tpu.assume_multiple %add3A_28, 400 : i32
      %dma_start3A = arith.constant 0 : i32
      %dma_start3A_30 = tpu.memref_slice %arg5[%multiple_of3A_29, %dma_start3A] : memref<204800x64xf32, #tpu.memory_space<hbm>> -> memref<400x64xf32, #tpu.memory_space<hbm>>
      %dma_start3A_31 = arith.constant 0 : i32
      %dma_start3A_32 = tpu.memref_slice %arg5[%multiple_of3A_29, %dma_start3A_31] : memref<204800x64xf32, #tpu.memory_space<hbm>> -> memref<400x64xf32, #tpu.memory_space<hbm>>
      tpu.enqueue_dma source(%arg8 : memref<400x64xf32, #tpu.memory_space<vmem>>) target(%dma_start3A_32 : memref<400x64xf32, #tpu.memory_space<hbm>>) target_semaphore(%arg10 : memref<!tpu.dma_semaphore, #tpu.memory_space<semaphore_mem>>)
      %dma_wait3A_33 = arith.constant 0 : i32
      %dma_wait3A_34 = tpu.memref_slice %arg5[%multiple_of3A_29, %dma_wait3A_33] : memref<204800x64xf32, #tpu.memory_space<hbm>> -> memref<400x64xf32, #tpu.memory_space<hbm>>
      %dma_wait3A_35 = arith.constant 0 : i32
      %dma_wait3A_36 = tpu.memref_slice %arg5[%multiple_of3A_29, %dma_wait3A_35] : memref<204800x64xf32, #tpu.memory_space<hbm>> -> memref<400x64xf32, #tpu.memory_space<hbm>>
      tpu.wait_dma2 semaphore(%arg10 : memref<!tpu.dma_semaphore, #tpu.memory_space<semaphore_mem>>) src(%arg8 : memref<400x64xf32, #tpu.memory_space<vmem>>) dst(%dma_wait3A_36 : memref<400x64xf32, #tpu.memory_space<hbm>>)
    }
    %scan3A_7 = arith.constant 16 : i32
    return
  }
}

</mosaic_0001>

<sc_bundles>
// kernel: kernel.3.cloned.1.call-start
scs
__scs_entry_jumppad:
0x0: {  	(pc) =	sbr.rel $0x88, $3  }
0x1: {  	(tag) =	ssettag $0x0;
	lr =	simm.s32 $0x1  }
0x2: {  	[smem:$0x3F9F] =	sst lr;
	_ =	strace $0xD0000000  }
0x3: {  	_ = 	snop  }
0x4: {  	_ = 	snop  }
0x5: {  	_ = 	snop  }
0x6: {  	_ = 	snop  }
0x7: {  	_ = 	snop  }
__scs_overlays_trampoline_lowered:
0x8: {  	[smem:$0x3FAE] =	sst s0  }
0x9: {  	[smem:$0x3FAF] =	sst s1  }
0xa: {  	[smem:$0x3FB0] =	sst s2  }
0xb: {  	[smem:$0x3FB1] =	sst s3  }
0xc: {  	[smem:$0x3FB2] =	sst s4  }
0xd: {  	[smem:$0x3FB3] =	sst s5  }
0xe: {  	[smem:$0x3FB4] =	sst s6  }
0xf: {  	[smem:$0x3FB5] =	sst s7  }
0x10: {  	[smem:$0x3FB6] =	sst s8  }
0x11: {  	[smem:$0x3FB7] =	sst s9;
	s0 =	simm.s32 @!p0 $0x0  }
0x12: {  	s1 =	sld [smem:$0x3F9D];
	s0 =	simm.s32 @p0 $0x1  }
0x13: {  	[smem:$0x3FB8] =	sst s0;
	s0 =	simm.s32 @!p1 $0x0  }
0x14: {  	s2 =	sld [smem:$0x3F9C];
	s0 =	simm.s32 @p1 $0x1  }
0x15: {  	[smem:$0x3FB9] =	sst s0;
	s0 =	simm.s32 @!p2 $0x0  }
0x16: {  	s3 =	sld [smem:$0x3FDB];
	s0 =	simm.s32 @p2 $0x1  }
0x17: {  	s4 =	simm.s32 $0x1BF5;
	[smem:$0x3FBB] =	sst s0  }
0x18: {  	s0 =	sld [smem:$0x3F9E];
	_ =	swait.ge [sflag:s4], $0x0  }
0x19: {  	s7 =	sld [smem:$0x3F9F]  }
0x1a: {  	s8 =	sadd.s32 $0xFFFFE003, lr  }
0x1b: {  	s9 =	sadd.s32 $0xFFFFFEF7, lr;
	s5 =	simm.s32 $0xFFFFFFFF;
	p2 =	slt.u32 s8, $0xFFFFF086  }
0x1c: {  	p1 =	slt.u32 s9, $0xF7A;
	s5 =	simm.s32 @!p2 $0x0  }
0x1d: {  	s5 =	simm.s32 @p1 $0x1;
	p0 =	seq.s32 s7, s2  }
0x1e: {  	s7 =	smul.u32 @!p0 $0xF7A, s2;
	p2 =	seq.s32 @!p0 s5, $0x0  }
0x1f: {  	s9 =	smul.u32 $0xF7A, s1;
	s8 =	simm.s32 @!p0 $0x1BF5;
	p2 =	por !p2, p0  }
0x20: {  	[sflag:s8] =	ssyncset.s32 @!p0 $0xFFFFF086;
	s6 =	sadd.s32 @!p0 s3, s7;
	s7 =	simm.s32 @!p0 $0x108  }
0x21: {  	s3 =	sadd.s32 s3, s9;
	s6 =	sadd.s32 @!p0 $0x88, s6;
	s7 =	simm.s32 @p2 $0x1082  }
0x22: {  	[simem:s7], [sflag:s8] =	dma.local @!p0 [hbm:s6], $0xF7A  }
0x23: {  	s9 =	sor.u32 $0xD0000000, s2;
	s6 =	simm.s32 $0x108;
	_ =	swait.ge @!p0 [sflag:s8], $0x0  }
0x24: {  	s3 =	sadd.s32 $0x88, s3;
	s6 =	simm.s32 @!p1 $0x1082;
	[sflag:s4] =	ssyncset.s32 $0xFFFFF086  }
0x25: {  	[simem:s6], [sflag:s4] =	dma.local [hbm:s3], $0xF7A  }
0x26: {  	[smem:$0x3F9F] =	sst s1;
	(tag) =	ssettag s2;
	_ =	strace s9  }
0x27: {  	s1 =	sld [smem:$0x3FAF]  }
0x28: {  	s2 =	sld [smem:$0x3FB0]  }
0x29: {  	s4 =	sld [smem:$0x3FB2]  }
0x2a: {  	p0 =	seq.s32 s5, $0x0;
	s5 =	sld [smem:$0x3FB3]  }
0x2b: {  	s6 =	sld [smem:$0x3FB4]  }
0x2c: {  	s7 =	sld [smem:$0x3FB5]  }
0x2d: {  	s3 =	simm.s32 $0x108;
	s8 =	sld [smem:$0x3FB6]  }
0x2e: {  	s3 =	simm.s32 @!p0 $0x1082;
	s9 =	sld [smem:$0x3FB7]  }
0x2f: {  	lr =	sadd.s32 s0, s3;
	s0 =	sld [smem:$0x3FAE]  }
0x30: {  	s3 =	sld [smem:$0x3FB1]  }
0x31: {  	[smem:$0x3FBA] =	sst s10  }
0x32: {  	s10 =	sld [smem:$0x3FB8];
	_ =	sdelay $0x3  }
0x33: {  	p0 =	seq.s32 s10, $0x1;
	s10 =	sld [smem:$0x3FBA];
	_ =	sdelay $0x3  }
0x34: {  	[smem:$0x3FBA] =	sst s10  }
0x35: {  	s10 =	sld [smem:$0x3FB9];
	_ =	sdelay $0x3  }
0x36: {  	p1 =	seq.s32 s10, $0x1;
	s10 =	sld [smem:$0x3FBA];
	_ =	sdelay $0x3  }
0x37: {  	[smem:$0x3FBA] =	sst s10  }
0x38: {  	s10 =	sld [smem:$0x3FBB]  }
0x39: {  	_ = 	snop;
	(pc) =	sbr.ind lr, $3  }
0x3a: {  	_ = 	snop  }
0x3b: {  	_ = 	snop  }
0x3c: {  	p2 =	seq.s32 s10, $0x1;
	s10 =	sld [smem:$0x3FBA]  }
0x3d: {  	_ =	shalt  }
0x3e: {  	_ =	shalt  }
0x3f: {  	_ =	shalt  }
0x40: {  	_ =	shalt  }
0x41: {  	_ =	shalt  }
0x42: {  	_ =	shalt  }
0x43: {  	_ =	shalt  }
0x44: {  	_ =	shalt  }
0x45: {  	_ =	shalt  }
0x46: {  	_ =	shalt  }
0x47: {  	_ =	shalt  }
0x48: {  	_ =	shalt  }
0x49: {  	_ =	shalt  }
0x4a: {  	_ =	shalt  }
0x4b: {  	_ =	shalt  }
0x4c: {  	_ =	shalt  }
0x4d: {  	_ =	shalt  }
0x4e: {  	_ =	shalt  }
0x4f: {  	_ =	shalt  }
0x50: {  	_ =	shalt  }
0x51: {  	_ =	shalt  }
0x52: {  	_ =	shalt  }
0x53: {  	_ =	shalt  }
0x54: {  	_ =	shalt  }
0x55: {  	_ =	shalt  }
0x56: {  	_ =	shalt  }
0x57: {  	_ =	shalt  }
0x58: {  	_ =	shalt  }
0x59: {  	_ =	shalt  }
0x5a: {  	_ =	shalt  }
0x5b: {  	_ =	shalt  }
0x5c: {  	_ =	shalt  }
0x5d: {  	_ =	shalt  }
0x5e: {  	_ =	shalt  }
0x5f: {  	_ =	shalt  }
0x60: {  	_ =	shalt  }
0x61: {  	_ =	shalt  }
0x62: {  	_ =	shalt  }
0x63: {  	_ =	shalt  }
0x64: {  	_ =	shalt  }
0x65: {  	_ =	shalt  }
0x66: {  	_ =	shalt  }
0x67: {  	_ =	shalt  }
0x68: {  	_ =	shalt  }
0x69: {  	_ =	shalt  }
0x6a: {  	_ =	shalt  }
0x6b: {  	_ =	shalt  }
0x6c: {  	_ =	shalt  }
0x6d: {  	_ =	shalt  }
0x6e: {  	_ =	shalt  }
0x6f: {  	_ =	shalt  }
0x70: {  	_ =	shalt  }
0x71: {  	_ =	shalt  }
0x72: {  	_ =	shalt  }
0x73: {  	_ =	shalt  }
0x74: {  	_ =	shalt  }
0x75: {  	_ =	shalt  }
0x76: {  	_ =	shalt  }
0x77: {  	_ =	shalt  }
0x78: {  	_ =	shalt  }
0x79: {  	_ =	shalt  }
0x7a: {  	_ =	shalt  }
0x7b: {  	_ =	shalt  }
0x7c: {  	_ =	shalt  }
0x7d: {  	_ =	shalt  }
0x7e: {  	_ =	shalt  }
0x7f: {  	_ =	shalt  }
0x80: {  	_ =	shalt  }
0x81: {  	_ =	shalt  }
0x82: {  	_ =	shalt  }
0x83: {  	_ =	shalt  }
0x84: {  	_ =	shalt  }
0x85: {  	_ =	shalt  }
0x86: {  	_ =	shalt  }
0x87: {  	_ =	shalt  }
.Lfunc_end0:
.L_simem_size_0:
called_computation.1_lowered:
.L_overlay_start_0:
0x88: {  	s2 =	sld [smem:$0x3FD9]  }
0x89: {  	s3 =	sld [smem:$0x3FFE];
	_ =	sdelay $0x1  }
0x8a: {  	s1 =	srdreg.scid  }
0x8b: {  	s0 =	sand.u32 $0x1, s1  }
0x8c: {  	s17 =	sshll.u32 s0, $0xA;
	s2 =	sadd.s32 s3, s2  }
0x8d: {  	s2 =	sadd.s32 s2, s17  }
0x8e: {  	[smem:$0x3FC6] =	sst s2  }
0x8f: {  	_ = 	snop  }
0x90: {  	s2 =	sld [smem:$0x3FD0];
	(tm) =	ssettm $0x1  }
0x91: {  	s18 =	sld [smem:$0x3FFB];
	_ =	sdelay $0x3  }
0x92: {  	_ =	strace s18  }
0x93: {  	s3 =	sld [smem:$0x3FFC];
	_ =	sdelay $0x3  }
0x94: {  	_ =	strace s3  }
0x95: {  	s3 =	sld [smem:$0x3FFD];
	_ =	sdelay $0x3  }
0x96: {  	_ =	strace s3  }
0x97: {  	_ =	strace $0x8FFFFFFF  }
0x98: {  	s19 =	sld [smem:$0x3FDB];
	_ =	sdelay $0x1  }
0x99: {  	s4 =	simm.s32 $_scs_section_size  }
0x9a: {  	s5 =	simm.s32 $_size__tile_overlayer_lowered;
	s6 =	simm.s32 $_tile_overlayer_lowered  }
0x9b: {  	s22 =	simm.s32 $0x1BFF;
	s21 =	sshll.u32 s6, $0x1;
	s3 =	sadd.s32 s4, s19  }
0x9c: {  	s7 =	simm.s32 $0x0;
	s20 =	sshll.u32 s5, $0x1;
	s5 =	sadd.s32 s21, s3  }
0x9d: {  	[timem:s7], [sflag:s22] =	dma.local [hbm:s5], s20  }
0x9e: {  	_ =	swait.ge [sflag:s22], s20  }
0x9f: {  	s4 =	ssub.s32 $0x0, s20;
	[sflag:s22] =	ssyncset.done $0x0  }
0xa0: {  	[sflag:s22] =	ssyncadd.s32 s4;
	_ =	sdelay $0x1  }
0xa1: {  	s23 =	simm.s32 $0x1B8B  }
0xa2: {  	_ =	swait.ge [sflag:s23], $0x1  }
0xa3: {  	[sflag:s23] =	ssyncset.done $0x0  }
0xa4: {  	s25 =	simm.s32 $0x1B8E;
	s24 =	sld [smem:$0x3FFE];
	[sflag:s23] =	ssyncadd.s32 $0xFFFFFFFF  }
0xa5: {  	s26 =	simm.s32 $execute0_lowered;
	[smem:$0x3FD2] =	sst s25  }
0xa6: {  	s5 =	sshll.u32 s26, $0x1;
	_ =	strace $0x80000046;
	[dreg:$0x1] =	wrdreg $0xFFFFFFFF  }
0xa7: {  	s28 =	simm.s32 $_size_execute0_lowered;
	s3 =	sadd.s32 s3, s5;
	[dreg:$0x0] =	wrdreg $0x0  }
0xa8: {  	s5 =	sshll.u32 s28, $0x1;
	[dreg:$0x2] =	wrdreg s3  }
0xa9: {  	[dreg:$0x3] =	wrdreg s5  }
0xaa: {  	[dreg:$0x4] =	wrdreg $0xC0  }
0xab: {  	_ =	task [dreg:s7], $0x5FFFF  }
0xac: {  	[dreg:$0x1] =	wrdreg $0xFFFFFFFF  }
0xad: {  	[dreg:$0x0] =	wrdreg $0x60  }
0xae: {  	[dreg:$0x2] =	wrdreg s2  }
0xaf: {  	[dreg:$0x3] =	wrdreg s24  }
0xb0: {  	[dreg:$0x4] =	wrdreg $0x9  }
0xb1: {  	_ =	task.clear_ibuf [dreg:s7], $0x5FFFF;
	_ =	strace $0x90000046  }
0xb2: {  	s29 =	simm.s32 $0x9;
	_ =	strace $0x80000048  }
0xb3: {  	_ =	swait.ge [sflag:s29], $0x1  }
0xb4: {  	[sflag:s29] =	ssyncadd.s32 $0xFFFFFFFF  }
0xb5: {  	_ =	strace $0x90000048  }
0xb6: {  	_ =	sfence  }
0xb7: {  	s30 =	sld [smem:$0x0];
	_ =	sdelay $0x2  }
0xb8: {  	s31 =	sshll.u32 s1, $0xD;
	s1 =	sshrl.u32 s1, $0x2  }
0xb9: {  	s3 =	sand.u32 $0x4000, s31;
	s1 =	sadd.s32 s1, s30  }
0xba: {  	s0 =	sor.u32 s3, s0;
	s1 =	sshll.u32 s1, $0x11  }
0xbb: {  	s0 =	sor.u32 s1, s0  }
0xbc: {  	s0 =	sadd.s32 $0x8F2B, s0  }
0xbd: {  	[sflag:s0] =	ssyncadd.remote.s32 $0x1  }
0xbe: {  	_ =	sfence.sel $0xFFFF  }
0xbf: {  	[dreg:$0x0] =	wrdreg $0xFFFFFFFF;
	(pc) =	sbr.abs _section_cstart, $3  }
0xc0: {  	[dreg:$0x1] =	wrdreg $0xFFFFFFFF  }
0xc1: {  	_ =	task.clear_ibuf [dreg:s7], $0x2FFFF;
	_ =	strace $0x9FFFFFFF  }
0xc2: {  	(tm) =	ssettm $0x7FFFFFFF  }
0xc3: {  	_ =	shalt  }
tec
execute0_lowered:
.L_overlay_start_1:
0x0: {  	(tag) =	ssettag $0x1  }
0x1: {  	s7 =	rddreg [dreg:$0x0];
	s1 =	srdreg.scid  }
0x2: {  	s0 =	stileid.u32;
	s6 =	rddreg [dreg:$0x1]  }
0x3: {  	s2 =	simm.s32 $0x0;
	s11 =	simm.s32 $0x1;
	s12 =	simm.s32 $0x7D00  }
0x4: {  	s13 =	simm.s32 $0x2;
	s3 =	sand.u32 $0x1, s1;
	s4 =	sshll.u32 s0, $0x1  }
0x5: {  	s14 =	simm.s32 $0x0;
	s4 =	sor.u32 s3, s4;
	s8 =	ssub.s32 $0x2, s3  }
0x6: {  	[smem:$0x7FF] =	sst s2;
	s3 =	smul.u32 $0x1900, s4;
	s9 =	sshrl.u32 s8, $0x1  }
0x7: {  	s28 =	sadd.s32 $0xF42E00, s6;
	_ =	strace $0x80000047;
	s8 =	ssub.s32 s8, s9  }
0x8: {  	[dreg:$0x3] =	wrdreg s28;
	s29 =	sshrl.u32 s3, $0x3;
	s31 =	smax.u32 s8, $0x1  }
0x9: {  	s4 =	sadd.s32 $0xA00, s6;
	s30 =	sadd.s32 s7, s29;
	[dreg:$0x5] =	wrdreg s31  }
0xa: {  	s6 =	sadd.s32 $0xF43C00, s6;
	s9 =	simm.s32 $0x3;
	[dreg:$0x4] =	wrdreg s30  }
.LBB2_1:
0xb: {  	s0 =	rddreg [dreg:$0x4]  }
0xc: {  	[tilespmem:s2], [sflag:$0x3] =	stream.linear.gather [hbm4b:s0+s2], $0x1900, $0x38;
	[tilespmem:$0x14500] =	vst v63  }
0xd: {  	_ =	swait.ge [sflag:s9], $0x1900  }
0xe: {  	[sflag:s9] =	ssyncset.done $0x0  }
0xf: {  	s1 =	simm.s32 $0x1900;
	s31 =	rddreg [dreg:$0x3];
	[sflag:s9] =	ssyncadd.s32 $0xFFFFE700  }
0x10: {  	[tilespmem:s1], [sflag:$0x3] =	stream.linear.gather [hbm4b:s31+s2], $0x6400, $0x38;
	[tilespmem:$0x14500] =	vst v63  }
0x11: {  	_ =	swait.ge [sflag:s9], $0x6400  }
0x12: {  	[sflag:s9] =	ssyncset.done $0x0  }
0x13: {  	s15 =	simm.s32 $0x0;
	s16 =	simm.s32 $0x0;
	[sflag:s9] =	ssyncadd.s32 $0xFFFF9C00  }
.LBB2_2:
0x14: {  	v0 =	vld [tilespmem:s15+$0x0];
	_ =	sdelay $0x4  }
0x15: {  	v0 =	vshll.u32 v0, $0x4  }
0x16: {  	(v2sf) =	vpush v0, $0x0  }
0x17: {  	(v2sf) =	vpush v0, $0x1  }
0x18: {  	(v2sf) =	vpush v0, $0x2;
	_ =	sdelay $0x1  }
0x19: {  	(v2sf) =	vpush v0, $0x4;
	_ =	sdelay $0x1  }
0x1a: {  	(v2sf) =	vpush v0, $0x3  }
0x1b: {  	(v2sf) =	vpush v0, $0x5  }
0x1c: {  	s18 =	simm.s32 $0x2000;
	s17 =	simm.s32 $0x0;
	s19 =	smov.u32 s15;
	(v2sf) =	vpush v0, $0x6  }
.LBB2_3:
0x1d: {  	p0 =	sne.s32 s18, $0x30000  }
0x1e: {  	s30 =	sadd.s32 $0x7D80, s17;
	s23 =	sadd.s32 $0x8280, s17;
	s20 =	smov.u32 s18  }
0x1f: {  	s18 =	sadd.s32 $0x2000, s18;
	s26 =	sadd.s32 $0x8080, s17;
	s21 =	sadd.s32 $0x8300, s17;
	(v2sf) =	vpush v0, $0x7  }
0x20: {  	s29 =	sadd.s32 $0x7F80, s17;
	s25 =	sadd.s32 $0x8100, s17;
	s22 =	sadd.s32 $0x8380, s17  }
0x21: {  	s31 =	sadd.s32 $0x7D00, s17;
	s1 =	sadd.s32 $0x7F00, s17;
	(v2sf) =	vpush v0, $0x8  }
0x22: {  	s0 =	sadd.s32 $0x8000, s17;
	s19 =	sadd.s32 $0x10, s19  }
0x23: {  	s10 =	sadd.s32 $0x7E00, s17;
	s24 =	sadd.s32 $0x8200, s17;
	s28 =	spop (v2sf);
	(v2sf) =	vpush v0, $0x9  }
0x24: {  	s5 =	sand.u32 $0x1FFFFFF0, s28;
	s28 =	sadd.s32 $0x8180, s17;
	s7 =	spop (v2sf)  }
0x25: {  	s5 =	sadd.s32 s4, s5;
	s7 =	sand.u32 $0x1FFFFFF0, s7;
	s8 =	spop (v2sf);
	(v2sf) =	vpush v0, $0xA  }
0x26: {  	[tilespmem:s31], [sflag:$0x1] =	stream.linear.gather [hbm4b:s5+s2], $0x80, $0x38;
	[tilespmem:$0x14500] =	vst v63  }
0x27: {  	s5 =	sadd.s32 s4, s7;
	s7 =	sadd.s32 $0x7E80, s17;
	s31 =	spop (v2sf);
	(v2sf) =	vpush v0, $0xB  }
0x28: {  	[tilespmem:s30], [sflag:$0x1] =	stream.linear.gather [hbm4b:s5+s2], $0x80, $0x38;
	[tilespmem:$0x14500] =	vst v63  }
0x29: {  	s5 =	sand.u32 $0x1FFFFFF0, s8;
	s8 =	sand.u32 $0x1FFFFFF0, s31;
	s30 =	spop (v2sf);
	(v2sf) =	vpush v0, $0xC  }
0x2a: {  	s5 =	sadd.s32 s4, s5;
	s30 =	sand.u32 $0x1FFFFFF0, s30;
	s31 =	spop (v2sf)  }
0x2b: {  	[tilespmem:s10], [sflag:$0x1] =	stream.linear.gather [hbm4b:s5+s2], $0x80, $0x38;
	(v2sf) =	vpush v0, $0xD;
	[tilespmem:$0x14500] =	vst v63  }
0x2c: {  	s5 =	sadd.s32 s4, s30;
	s10 =	sand.u32 $0x1FFFFFF0, s31;
	s30 =	spop (v2sf)  }
0x2d: {  	[tilespmem:s7], [sflag:$0x1] =	stream.linear.gather [hbm4b:s5+s2], $0x80, $0x38;
	(v2sf) =	vpush v0, $0xE;
	[tilespmem:$0x14500] =	vst v63  }
0x2e: {  	s5 =	sadd.s32 s4, s8;
	s7 =	sand.u32 $0x1FFFFFF0, s30;
	s8 =	spop (v2sf)  }
0x2f: {  	[tilespmem:s1], [sflag:$0x1] =	stream.linear.gather [hbm4b:s5+s2], $0x80, $0x38;
	(v2sf) =	vpush v0, $0xF;
	[tilespmem:$0x14500] =	vst v63  }
0x30: {  	s1 =	sadd.s32 s4, s10;
	s5 =	sand.u32 $0x1FFFFFF0, s8;
	s8 =	spop (v2sf)  }
0x31: {  	[tilespmem:s29], [sflag:$0x1] =	stream.linear.gather [hbm4b:s1+s2], $0x80, $0x38;
	[tilespmem:$0x14500] =	vst v63  }
0x32: {  	s1 =	sadd.s32 s4, s7;
	s7 =	sand.u32 $0x1FFFFFF0, s8;
	s8 =	spop (v2sf)  }
0x33: {  	[tilespmem:s0], [sflag:$0x1] =	stream.linear.gather [hbm4b:s1+s2], $0x80, $0x38;
	[tilespmem:$0x14500] =	vst v63  }
0x34: {  	s0 =	sadd.s32 s4, s5;
	s1 =	sand.u32 $0x1FFFFFF0, s8;
	s5 =	spop (v2sf)  }
0x35: {  	[tilespmem:s26], [sflag:$0x1] =	stream.linear.gather [hbm4b:s0+s2], $0x80, $0x38;
	[tilespmem:$0x14500] =	vst v63  }
0x36: {  	s0 =	sadd.s32 s4, s7;
	s5 =	sand.u32 $0x1FFFFFF0, s5;
	s7 =	spop (v2sf)  }
0x37: {  	[tilespmem:s25], [sflag:$0x1] =	stream.linear.gather [hbm4b:s0+s2], $0x80, $0x38;
	[tilespmem:$0x14500] =	vst v63  }
0x38: {  	s0 =	sadd.s32 s4, s1;
	s1 =	sand.u32 $0x1FFFFFF0, s7;
	s7 =	spop (v2sf)  }
0x39: {  	[tilespmem:s28], [sflag:$0x1] =	stream.linear.gather [hbm4b:s0+s2], $0x80, $0x38;
	[tilespmem:$0x14500] =	vst v63  }
0x3a: {  	s0 =	sadd.s32 s4, s5;
	s5 =	sand.u32 $0x1FFFFFF0, s7;
	s7 =	spop (v2sf)  }
0x3b: {  	[tilespmem:s24], [sflag:$0x1] =	stream.linear.gather [hbm4b:s0+s2], $0x80, $0x38;
	[tilespmem:$0x14500] =	vst v63  }
0x3c: {  	s0 =	sadd.s32 s4, s1;
	s1 =	sand.u32 $0x1FFFFFF0, s7;
	s7 =	spop (v2sf)  }
0x3d: {  	[tilespmem:s23], [sflag:$0x1] =	stream.linear.gather [hbm4b:s0+s2], $0x80, $0x38;
	[tilespmem:$0x14500] =	vst v63  }
0x3e: {  	s0 =	sadd.s32 s4, s5;
	s5 =	sand.u32 $0x1FFFFFF0, s7;
	s7 =	spop (v2sf)  }
0x3f: {  	[tilespmem:s21], [sflag:$0x1] =	stream.linear.gather [hbm4b:s0+s2], $0x80, $0x38;
	[tilespmem:$0x14500] =	vst v63  }
0x40: {  	s0 =	sadd.s32 s4, s1;
	s1 =	sand.u32 $0x1FFFFFF0, s7  }
0x41: {  	[tilespmem:s22], [sflag:$0x1] =	stream.linear.gather [hbm4b:s0+s2], $0x80, $0x38;
	[tilespmem:$0x14500] =	vst v63  }
0x42: {  	s5 =	sadd.s32 s4, s5;
	s0 =	sadd.s32 $0x8400, s17  }
0x43: {  	[tilespmem:s0], [sflag:$0x1] =	stream.linear.gather [hbm4b:s5+s2], $0x80, $0x38;
	[tilespmem:$0x14500] =	vst v63  }
0x44: {  	s1 =	sadd.s32 s4, s1;
	s0 =	sadd.s32 $0x8480, s17  }
0x45: {  	[tilespmem:s0], [sflag:$0x1] =	stream.linear.gather [hbm4b:s1+s2], $0x80, $0x38;
	[tilespmem:$0x14500] =	vst v63  }
0x46: {  	v0 =	vld [tilespmem:s19+$0x0];
	_ =	sdelay $0x4  }
0x47: {  	v0 =	vshll.u32 v0, $0x4  }
0x48: {  	(v2sf) =	vpush v0, $0x0  }
0x49: {  	(v2sf) =	vpush v0, $0x1  }
0x4a: {  	(v2sf) =	vpush v0, $0x2;
	_ =	sdelay $0x1  }
0x4b: {  	(v2sf) =	vpush v0, $0x4  }
.Ltmp0:
0x4c: {  	(pc) =	sbr.rel @p0 .LBB2_3-.Ltmp0, $3  }
0x4d: {  	(v2sf) =	vpush v0, $0x3  }
0x4e: {  	(v2sf) =	vpush v0, $0x5;
	_ =	sdelay $0x1  }
0x4f: {  	s17 =	sshra.s32 s20, $0x2;
	(v2sf) =	vpush v0, $0x6  }
0x50: {  	_ =	sdelay $0x1  }
0x51: {  	s0 =	sadd.s32 $0x7D80, s17;
	s20 =	sadd.s32 $0x8280, s17  }
0x52: {  	s1 =	sadd.s32 $0x8080, s17;
	s18 =	sadd.s32 $0x8300, s17;
	(v2sf) =	vpush v0, $0x7;
	s5 =	sadd.s32 $0x7F80, s17  }
0x53: {  	s7 =	sadd.s32 $0x8100, s17;
	s19 =	sadd.s32 $0x8380, s17;
	s8 =	sadd.s32 $0x7D00, s17  }
0x54: {  	s10 =	sadd.s32 $0x7F00, s17;
	s21 =	sadd.s32 $0x8000, s17;
	(v2sf) =	vpush v0, $0x8;
	s22 =	spop (v2sf)  }
0x55: {  	s23 =	sadd.s32 $0x7E00, s17;
	s22 =	sand.u32 $0x1FFFFFF0, s22;
	s24 =	spop (v2sf)  }
0x56: {  	(v2sf) =	vpush v0, $0x9;
	s22 =	sadd.s32 s4, s22;
	s24 =	sand.u32 $0x1FFFFFF0, s24;
	s25 =	spop (v2sf)  }
0x57: {  	[tilespmem:s8], [sflag:$0x1] =	stream.linear.gather [hbm4b:s22+s2], $0x80, $0x38;
	[tilespmem:$0x14500] =	vst v63  }
0x58: {  	(v2sf) =	vpush v0, $0xA;
	s26 =	sadd.s32 s4, s24;
	s29 =	sand.u32 $0x1FFFFFF0, s25;
	s28 =	spop (v2sf)  }
0x59: {  	[tilespmem:s0], [sflag:$0x1] =	stream.linear.gather [hbm4b:s26+s2], $0x80, $0x38;
	[tilespmem:$0x14500] =	vst v63  }
0x5a: {  	s8 =	sadd.s32 $0x8200, s17;
	(v2sf) =	vpush v0, $0xB;
	s22 =	sadd.s32 s4, s29;
	s30 =	spop (v2sf)  }
0x5b: {  	s0 =	sadd.s32 $0x8180, s17;
	s26 =	sadd.s32 $0x7E80, s17;
	s25 =	sand.u32 $0x1FFFFFF0, s30  }
0x5c: {  	(v2sf) =	vpush v0, $0xC;
	[tilespmem:s23], [sflag:$0x1] =	stream.linear.gather [hbm4b:s22+s2], $0x80, $0x38;
	[tilespmem:$0x14500] =	vst v63  }
0x5d: {  	s31 =	sand.u32 $0x1FFFFFF0, s28;
	s28 =	spop (v2sf);
	s29 =	sadd.s32 s4, s25  }
0x5e: {  	(v2sf) =	vpush v0, $0xD;
	[tilespmem:s26], [sflag:$0x1] =	stream.linear.gather [hbm4b:s29+s2], $0x80, $0x38;
	[tilespmem:$0x14500] =	vst v63  }
0x5f: {  	s22 =	sadd.s32 s4, s31;
	s23 =	sand.u32 $0x1FFFFFF0, s28;
	s30 =	spop (v2sf)  }
0x60: {  	(v2sf) =	vpush v0, $0xE;
	[tilespmem:s10], [sflag:$0x1] =	stream.linear.gather [hbm4b:s22+s2], $0x80, $0x38;
	[tilespmem:$0x14500] =	vst v63  }
0x61: {  	s23 =	sadd.s32 s4, s23;
	s31 =	sand.u32 $0x1FFFFFF0, s30;
	s24 =	spop (v2sf)  }
0x62: {  	(v2sf) =	vpush v0, $0xF;
	[tilespmem:s5], [sflag:$0x1] =	stream.linear.gather [hbm4b:s23+s2], $0x80, $0x38;
	[tilespmem:$0x14500] =	vst v63  }
0x63: {  	s25 =	sand.u32 $0x1FFFFFF0, s24;
	s26 =	spop (v2sf);
	s10 =	sadd.s32 s4, s31  }
0x64: {  	[tilespmem:s21], [sflag:$0x1] =	stream.linear.gather [hbm4b:s10+s2], $0x80, $0x38;
	[tilespmem:$0x14500] =	vst v63  }
0x65: {  	s28 =	sand.u32 $0x1FFFFFF0, s26;
	s5 =	sadd.s32 s4, s25;
	s29 =	spop (v2sf)  }
0x66: {  	[tilespmem:s1], [sflag:$0x1] =	stream.linear.gather [hbm4b:s5+s2], $0x80, $0x38;
	[tilespmem:$0x14500] =	vst v63  }
0x67: {  	s10 =	sadd.s32 s4, s28;
	s30 =	sand.u32 $0x1FFFFFF0, s29;
	s31 =	spop (v2sf)  }
0x68: {  	[tilespmem:s7], [sflag:$0x1] =	stream.linear.gather [hbm4b:s10+s2], $0x80, $0x38;
	[tilespmem:$0x14500] =	vst v63  }
0x69: {  	s5 =	sand.u32 $0x1FFFFFF0, s31;
	s1 =	sadd.s32 s4, s30;
	s10 =	spop (v2sf)  }
0x6a: {  	[tilespmem:s0], [sflag:$0x1] =	stream.linear.gather [hbm4b:s1+s2], $0x80, $0x38;
	[tilespmem:$0x14500] =	vst v63  }
0x6b: {  	s5 =	sadd.s32 s4, s5;
	s21 =	sand.u32 $0x1FFFFFF0, s10;
	s22 =	spop (v2sf)  }
0x6c: {  	[tilespmem:s8], [sflag:$0x1] =	stream.linear.gather [hbm4b:s5+s2], $0x80, $0x38;
	[tilespmem:$0x14500] =	vst v63  }
0x6d: {  	s0 =	sadd.s32 s4, s21;
	s1 =	sand.u32 $0x1FFFFFF0, s22;
	s23 =	spop (v2sf)  }
0x6e: {  	[tilespmem:s20], [sflag:$0x1] =	stream.linear.gather [hbm4b:s0+s2], $0x80, $0x38;
	[tilespmem:$0x14500] =	vst v63  }
0x6f: {  	s24 =	sand.u32 $0x1FFFFFF0, s23;
	s1 =	sadd.s32 s4, s1;
	s25 =	spop (v2sf)  }
0x70: {  	[tilespmem:s18], [sflag:$0x1] =	stream.linear.gather [hbm4b:s1+s2], $0x80, $0x38;
	[tilespmem:$0x14500] =	vst v63  }
0x71: {  	s26 =	sand.u32 $0x1FFFFFF0, s25;
	s28 =	spop (v2sf);
	s0 =	sadd.s32 s4, s24  }
0x72: {  	[tilespmem:s19], [sflag:$0x1] =	stream.linear.gather [hbm4b:s0+s2], $0x80, $0x38;
	[tilespmem:$0x14500] =	vst v63  }
0x73: {  	s30 =	sadd.s32 $0x8400, s17;
	s29 =	sand.u32 $0x1FFFFFF0, s28;
	s1 =	sadd.s32 s4, s26  }
0x74: {  	[tilespmem:s30], [sflag:$0x1] =	stream.linear.gather [hbm4b:s1+s2], $0x80, $0x38;
	[tilespmem:$0x14500] =	vst v63  }
0x75: {  	s31 =	sadd.s32 $0x8480, s17;
	s0 =	sadd.s32 s4, s29  }
0x76: {  	[tilespmem:s31], [sflag:$0x1] =	stream.linear.gather [hbm4b:s0+s2], $0x80, $0x38;
	[tilespmem:$0x14500] =	vst v63  }
0x77: {  	_ =	swait.ge [sflag:s11], $0xC800  }
0x78: {  	[sflag:s11] =	ssyncset.done $0x0  }
0x79: {  	s17 =	simm.s32 $0x0;
	[sflag:s11] =	ssyncadd.s32 $0xFFFF3800  }
0x7a: {  	v3 =	vld [tilespmem:s17+$0x1900]  }
0x7b: {  	v4 =	vld [tilespmem:s17+$0x1910]  }
0x7c: {  	v5 =	vld [tilespmem:s17+$0x1920]  }
0x7d: {  	v6 =	vld [tilespmem:s17+$0x1930]  }
0x7e: {  	v7 =	vld [tilespmem:s17+$0x1980]  }
0x7f: {  	v2 =	vld [tilespmem:s17+$0x1990]  }
0x80: {  	v1 =	vld [tilespmem:s17+$0x19A0]  }
0x81: {  	v0 =	vld [tilespmem:s17+$0x19B0]  }
0x82: {  	v8 =	vld [tilespmem:s17+$0x7D00]  }
0x83: {  	v9 =	vld [tilespmem:s17+$0xE100]  }
0x84: {  	v10 =	vld [tilespmem:s17+$0x7D10]  }
0x85: {  	v11 =	vld [tilespmem:s17+$0xE110]  }
0x86: {  	v12 =	vld [tilespmem:s17+$0x7D20]  }
0x87: {  	v13 =	vld [tilespmem:s17+$0xE120];
	v8 =	vadd.f32 v8, v3  }
0x88: {  	v14 =	vld [tilespmem:s17+$0x7D30];
	v3 =	vadd.f32 v9, v3  }
0x89: {  	v9 =	vadd.f32 v10, v4;
	[tilespmem:s17+$0x7D00] =	vst v8;
	v8 =	vld [tilespmem:s17+$0xE130]  }
0x8a: {  	v10 =	vld [tilespmem:s17+$0x7D80];
	[tilespmem:s17+$0xE100] =	vst v3;
	v3 =	vadd.f32 v11, v4  }
0x8b: {  	[tilespmem:s17+$0x7D10] =	vst v9;
	v11 =	vld [tilespmem:s17+$0xE180];
	v9 =	vadd.f32 v12, v5  }
0x8c: {  	v4 =	vld [tilespmem:s17+$0x7D90];
	v5 =	vadd.f32 v13, v5;
	[tilespmem:s17+$0xE110] =	vst v3  }
0x8d: {  	[tilespmem:s17+$0x7D20] =	vst v9;
	v3 =	vld [tilespmem:s17+$0xE190];
	v9 =	vadd.f32 v14, v6  }
0x8e: {  	[tilespmem:s17+$0xE120] =	vst v5;
	v5 =	vld [tilespmem:s17+$0x7DA0];
	v8 =	vadd.f32 v8, v6  }
0x8f: {  	[tilespmem:s17+$0x7D30] =	vst v9;
	v9 =	vadd.f32 v10, v7;
	v6 =	vld [tilespmem:s17+$0xE1A0]  }
0x90: {  	s18 =	simm.s32 $0x400;
	[tilespmem:s17+$0xE130] =	vst v8;
	v8 =	vadd.f32 v11, v7;
	v7 =	vld [tilespmem:s17+$0x7DB0]  }
.LBB2_5:
0x91: {  	s0 =	sshra.s32 s18, $0x2;
	p0 =	sne.s32 s18, $0x18C00;
	[tilespmem:s17+$0x7D80] =	vst v9;
	v4 =	vadd.f32 v4, v2;
	v9 =	vld [tilespmem:s17+$0xE1B0]  }
0x92: {  	v10 =	vld [tilespmem:s0+$0x1900];
	[tilespmem:s17+$0xE180] =	vst v8;
	v2 =	vadd.f32 v3, v2  }
0x93: {  	v3 =	vld [tilespmem:s0+$0x1910];
	[tilespmem:s17+$0x7D90] =	vst v4;
	v4 =	vadd.f32 v5, v1  }
0x94: {  	v5 =	vld [tilespmem:s0+$0x1920];
	[tilespmem:s17+$0xE190] =	vst v2;
	v1 =	vadd.f32 v6, v1  }
0x95: {  	v6 =	vld [tilespmem:s0+$0x1930];
	[tilespmem:s17+$0x7DA0] =	vst v4;
	v4 =	vadd.f32 v7, v0  }
0x96: {  	v7 =	vld [tilespmem:s0+$0x1980];
	[tilespmem:s17+$0xE1A0] =	vst v1;
	v0 =	vadd.f32 v9, v0  }
0x97: {  	v2 =	vld [tilespmem:s0+$0x1990];
	[tilespmem:s17+$0x7DB0] =	vst v4  }
0x98: {  	v1 =	vld [tilespmem:s0+$0x19A0];
	[tilespmem:s17+$0xE1B0] =	vst v0;
	s17 =	smov.u32 s0  }
0x99: {  	v0 =	vld [tilespmem:s17+$0x19B0]  }
0x9a: {  	v4 =	vld [tilespmem:s17+$0x7D00]  }
0x9b: {  	v8 =	vld [tilespmem:s17+$0xE100]  }
0x9c: {  	v9 =	vld [tilespmem:s17+$0x7D10]  }
0x9d: {  	v11 =	vld [tilespmem:s17+$0xE110]  }
0x9e: {  	v12 =	vld [tilespmem:s17+$0x7D20]  }
0x9f: {  	v4 =	vadd.f32 v4, v10;
	v13 =	vld [tilespmem:s17+$0xE120]  }
0xa0: {  	v8 =	vadd.f32 v8, v10;
	v10 =	vld [tilespmem:s17+$0x7D30]  }
0xa1: {  	[tilespmem:s17+$0x7D00] =	vst v4;
	v4 =	vadd.f32 v9, v3;
	v9 =	vld [tilespmem:s17+$0xE130]  }
0xa2: {  	[tilespmem:s17+$0xE100] =	vst v8;
	v3 =	vadd.f32 v11, v3;
	v8 =	vld [tilespmem:s17+$0x7D80]  }
0xa3: {  	[tilespmem:s17+$0x7D10] =	vst v4;
	v11 =	vadd.f32 v12, v5;
	v12 =	vld [tilespmem:s17+$0xE180]  }
.Ltmp1:
0xa4: {  	[tilespmem:s17+$0xE110] =	vst v3;
	v5 =	vadd.f32 v13, v5;
	v4 =	vld [tilespmem:s17+$0x7D90];
	(pc) =	sbr.rel @p0 .LBB2_5-.Ltmp1, $4  }
0xa5: {  	[tilespmem:s17+$0x7D20] =	vst v11;
	v10 =	vadd.f32 v10, v6;
	v3 =	vld [tilespmem:s17+$0xE190]  }
0xa6: {  	[tilespmem:s17+$0xE120] =	vst v5;
	v11 =	vadd.f32 v9, v6;
	v5 =	vld [tilespmem:s17+$0x7DA0]  }
0xa7: {  	[tilespmem:s17+$0x7D30] =	vst v10;
	v9 =	vadd.f32 v8, v7;
	v6 =	vld [tilespmem:s17+$0xE1A0]  }
0xa8: {  	s18 =	sadd.s32 $0x400, s18;
	[tilespmem:s17+$0xE130] =	vst v11;
	v8 =	vadd.f32 v12, v7;
	v7 =	vld [tilespmem:s17+$0x7DB0]  }
0xa9: {  	[tilespmem:s17+$0x7D80] =	vst v9;
	v4 =	vadd.f32 v4, v2;
	v58 =	vld [tilespmem:s17+$0xE1B0]  }
0xaa: {  	[tilespmem:s17+$0xE180] =	vst v8;
	v59 =	vadd.f32 v3, v2  }
0xab: {  	[tilespmem:s17+$0x7D90] =	vst v4;
	v60 =	vadd.f32 v5, v1  }
0xac: {  	s0 =	smul.u32 $0x190, s16;
	[tilespmem:s17+$0xE190] =	vst v59;
	v61 =	vadd.f32 v6, v1  }
0xad: {  	[tilespmem:s17+$0x7DA0] =	vst v60;
	v62 =	vadd.f32 v7, v0  }
0xae: {  	s16 =	sadd.s32 $0x1, s16;
	s0 =	sadd.s32 s3, s0;
	[tilespmem:s17+$0xE1A0] =	vst v61;
	v63 =	vadd.f32 v58, v0  }
0xaf: {  	p0 =	sne.s32 s16, $0x10;
	s0 =	sshll.u32 s0, $0x4;
	[tilespmem:s17+$0x7DB0] =	vst v62  }
.Ltmp2:
0xb0: {  	s0 =	sadd.s32 s6, s0;
	[tilespmem:s17+$0xE1B0] =	vst v63;
	(pc) =	sbr.rel @p0 .LBB2_2-.Ltmp2, $4  }
0xb1: {  	[hbm4b:s0+s2] =	stream.linear.scatter [tilespmem:s12], [sflag:$0x2], $0xC800, $0x38;
	[tilespmem:$0x14500] =	vst v63  }
0xb2: {  	_ =	swait.ge [sflag:s13], $0xC800  }
0xb3: {  	[sflag:s13] =	ssyncset.done $0x0  }
0xb4: {  	s15 =	sadd.s32 $0x190, s15;
	[sflag:s13] =	ssyncadd.s32 $0xFFFF3800  }
0xb5: {  	s14 =	sadd.s32 $0x1, s14;
	s0 =	rddreg [dreg:$0x5]  }
0xb6: {  	p0 =	sne.s32 s14, s0  }
.Ltmp3:
0xb7: {  	_ = 	snop;
	(pc) =	sbr.rel @p0 .LBB2_1-.Ltmp3, $1  }
0xb8: {  	_ =	sdelay $0x3  }
0xb9: {  	_ =	sfence.sel $0x180000  }
0xba: {  	[bflag:$0x0] =	sbarrier.arrive $0xFFFF  }
0xbb: {  	_ =	strace $0x90000047  }
0xbc: {  	s0 =	stileid.u32;
	[bflag:$0x2] =	sbarrier.arrive $0xFFFF  }
0xbd: {  	p0 =	sne.s32 s0, $0x0;
	s0 =	rddreg [dreg:$0x2]  }
0xbe: {  	s0 =	sadd.s32 @!p0 $0x100000, s0  }
0xbf: {  	[sflag:s0] =	ssyncadd.tile.s32 @!p0 $0x1;
	_ =	shalt  }
.Lfunc_end2:
_tile_overlayer_lowered:
.L_overlay_start_2:
0xc0: {  	(tag) =	ssettag $0x2  }
0xc1: {  	s0 =	rddreg [dreg:$0x0];
	s2 =	stileid.u32  }
0xc2: {  	s1 =	rddreg [dreg:$0x1];
	p0 =	sne.s32 s2, $0x0  }
0xc3: {  	s3 =	rddreg [dreg:$0x2];
	[bflag:$0x3] =	sbarrier.arrive $0xFFFF;
	s2 =	simm.s32 @!p0 $0x1C03  }
0xc4: {  	[timem:s3], [sflag:s2] =	dma.local @!p0 [hbm:s0], s1  }
0xc5: {  	s0 =	simm.s32 @!p0 $0x3  }
0xc6: {  	_ =	swait.ge @!p0 [sflag:s0], s1  }
0xc7: {  	s1 =	ssub.s32 @!p0 $0x0, s1;
	[sflag:s0] =	ssyncset.done @!p0 $0x0  }
0xc8: {  	[sflag:s0] =	ssyncadd.s32 @!p0 s1  }
0xc9: {  	[bflag:$0x3] =	sbarrier.arrive $0xFFFF  }
0xca: {  	_ =	shalt  }

// kernel: sparse-core-data-format-call.cloned.1.call-start
scs
called_computation_lowered:
.L_overlay_start_0:
0x0: {  	s2 =	sld [smem:$0x3FD9]  }
0x1: {  	s3 =	sld [smem:$0x3FFE];
	_ =	sdelay $0x1  }
0x2: {  	s1 =	srdreg.scid  }
0x3: {  	s0 =	sand.u32 $0x1, s1  }
0x4: {  	s18 =	sshll.u32 s0, $0xA;
	s2 =	sadd.s32 s3, s2  }
0x5: {  	s2 =	sadd.s32 s2, s18  }
0x6: {  	[smem:$0x3FC6] =	sst s2  }
0x7: {  	_ = 	snop  }
0x8: {  	s2 =	sld [smem:$0x3FD0];
	(tm) =	ssettm $0x1  }
0x9: {  	s19 =	sld [smem:$0x3FFB];
	_ =	sdelay $0x3  }
0xa: {  	_ =	strace s19  }
0xb: {  	s3 =	sld [smem:$0x3FFC];
	_ =	sdelay $0x3  }
0xc: {  	_ =	strace s3  }
0xd: {  	s3 =	sld [smem:$0x3FFD];
	_ =	sdelay $0x3  }
0xe: {  	_ =	strace s3  }
0xf: {  	_ =	strace $0x8FFFFFFF  }
0x10: {  	s20 =	sld [smem:$0x3FDB];
	_ =	sdelay $0x1  }
0x11: {  	s4 =	simm.s32 $_scs_section_size  }
0x12: {  	s5 =	simm.s32 $_size__tile_overlayer_lowered;
	s6 =	simm.s32 $_tile_overlayer_lowered  }
0x13: {  	s23 =	simm.s32 $0x1BFF;
	s22 =	sshll.u32 s6, $0x1;
	s3 =	sadd.s32 s4, s20  }
0x14: {  	s7 =	simm.s32 $0x0;
	s21 =	sshll.u32 s5, $0x1;
	s5 =	sadd.s32 s22, s3  }
0x15: {  	[timem:s7], [sflag:s23] =	dma.local [hbm:s5], s21  }
0x16: {  	_ =	swait.ge [sflag:s23], s21  }
0x17: {  	s4 =	ssub.s32 $0x0, s21;
	[sflag:s23] =	ssyncset.done $0x0  }
0x18: {  	[sflag:s23] =	ssyncadd.s32 s4;
	_ =	sdelay $0x1  }
0x19: {  	s24 =	simm.s32 $0x1B8B  }
0x1a: {  	_ =	swait.ge [sflag:s24], $0x1  }
0x1b: {  	[sflag:s24] =	ssyncset.done $0x0  }
0x1c: {  	s26 =	simm.s32 $0x1B8E;
	s25 =	sld [smem:$0x3FFE];
	[sflag:s24] =	ssyncadd.s32 $0xFFFFFFFF  }
0x1d: {  	s27 =	simm.s32 $execute0_lowered;
	[smem:$0x3FD2] =	sst s26  }
0x1e: {  	s5 =	sshll.u32 s27, $0x1;
	_ =	strace $0x80000049;
	[dreg:$0x1] =	wrdreg $0xFFFFFFFF  }
0x1f: {  	s28 =	simm.s32 $_size_execute0_lowered;
	s3 =	sadd.s32 s3, s5;
	[dreg:$0x0] =	wrdreg $0x0  }
0x20: {  	s5 =	sshll.u32 s28, $0x1;
	[dreg:$0x2] =	wrdreg s3  }
0x21: {  	[dreg:$0x3] =	wrdreg s5  }
0x22: {  	[dreg:$0x4] =	wrdreg $0xC0  }
0x23: {  	_ =	task [dreg:s7], $0x5FFFF  }
0x24: {  	[dreg:$0x1] =	wrdreg $0xFFFFFFFF  }
0x25: {  	[dreg:$0x0] =	wrdreg $0x60  }
0x26: {  	[dreg:$0x2] =	wrdreg s25  }
0x27: {  	[dreg:$0x3] =	wrdreg s2  }
0x28: {  	[dreg:$0x4] =	wrdreg $0x9  }
0x29: {  	_ =	task.clear_ibuf [dreg:s7], $0x5FFFF;
	_ =	strace $0x90000049  }
0x2a: {  	s29 =	simm.s32 $0x9;
	_ =	strace $0x8000004B  }
0x2b: {  	_ =	swait.ge [sflag:s29], $0x1  }
0x2c: {  	[sflag:s29] =	ssyncadd.s32 $0xFFFFFFFF  }
0x2d: {  	_ =	strace $0x9000004B  }
0x2e: {  	_ =	sfence  }
0x2f: {  	s30 =	sld [smem:$0x0];
	_ =	sdelay $0x2  }
0x30: {  	s31 =	sshll.u32 s1, $0xD;
	s1 =	sshrl.u32 s1, $0x2  }
0x31: {  	s3 =	sand.u32 $0x4000, s31;
	s1 =	sadd.s32 s1, s30  }
0x32: {  	s0 =	sor.u32 s3, s0;
	s1 =	sshll.u32 s1, $0x11  }
0x33: {  	s0 =	sor.u32 s1, s0  }
0x34: {  	s0 =	sadd.s32 $0x8F2B, s0  }
0x35: {  	[sflag:s0] =	ssyncadd.remote.s32 $0x1  }
0x36: {  	_ =	sfence.sel $0xFFFF  }
0x37: {  	[dreg:$0x0] =	wrdreg $0xFFFFFFFF;
	(pc) =	sbr.abs _section_cstart, $3  }
0x38: {  	[dreg:$0x1] =	wrdreg $0xFFFFFFFF  }
0x39: {  	_ =	task.clear_ibuf [dreg:s7], $0x2FFFF;
	_ =	strace $0x9FFFFFFF  }
0x3a: {  	(tm) =	ssettm $0x7FFFFFFF  }
0x3b: {  	_ =	shalt  }
tec
execute0_lowered:
.L_overlay_start_1:
0x0: {  	(tag) =	ssettag $0x1  }
0x1: {  	s0 =	stileid.u32;
	s6 =	rddreg [dreg:$0x0]  }
0x2: {  	s2 =	rddreg [dreg:$0x1];
	s5 =	srdreg.scid  }
0x3: {  	s31 =	simm.s32 $0x2;
	s13 =	simm.s32 $0x0;
	s1 =	sshll.u32 s0, $0x7  }
0x4: {  	s14 =	simm.s32 $0x0;
	s12 =	simm.s32 $0x0;
	s3 =	sand.u32 $0x380, s1  }
0x5: {  	s5 =	sshll.u32 s5, $0x4;
	s6 =	sadd.s32 $0xF43C00, s6;
	s4 =	ssub.s32 $0x400, s3  }
0x6: {  	s1 =	rddreg [dreg:$0x2];
	_ =	strace $0x8000004A;
	s7 =	sand.u32 $0x380, s4  }
0x7: {  	s5 =	sand.u32 $0x10, s5;
	p0 =	sne.s32 s7, $0x0;
	s7 =	simm.s32 $0x1  }
.Ltmp0:
0x8: {  	s8 =	sshrl.u32 s4, $0xA;
	s7 =	simm.s32 @!p0 $0x0;
	(pc) =	sbr.rel .LBB1_1-.Ltmp0, $4  }
0x9: {  	s9 =	sor.u32 s0, s5;
	s4 =	simm.s32 $0x1;
	s30 =	sadd.s32 s7, s8  }
0xa: {  	s11 =	smov.u32 s3;
	[sflag:s4] =	ssyncpa.u1 $0x0;
	s5 =	smul.u32 $0x32, s30  }
0xb: {  	[sflag:s31] =	ssyncpa.u1 $0x0;
	p0 =	por $0x0, $0x0;
	s7 =	sshrl.u32 s9, $0x3  }
0xc: {  	s9 =	simm.s32 $0x2000;
	s10 =	smov.u32 s7;
	s8 =	sor.u32 $0x1, s5  }
.LBB1_4:
0xd: {  	s17 =	sand.u32 $0x1F80, s14;
	s13 =	sshll.u32 s13, $0xD  }
0xe: {  	[tilespmem:s16+$0x810 ss:$0x81] =	vst.msk $0xffff, v2;
	s18 =	sshrl.u32 s14, $0x3;
	s31 =	sand.u32 $0x7, s14;
	s17 =	sadd.s32 s2, s17  }
0xf: {  	[tilespmem:s16+$0x1020 ss:$0x81] =	vst.msk $0xffff, v0;
	s18 =	sand.u32 $0xF, s18;
	s14 =	sshll.u32 s31, $0x12;
	s13 =	sadd.s32 s13, s17  }
0x10: {  	[tilespmem:s16+$0x0 ss:$0x81] =	vst.msk $0xffff, v1;
	s14 =	sor.u32 $0x400, s14;
	s13 =	sadd.s32 s18, s13  }
0x11: {  	[hbm4b:s13+s14] =	stream.strided.scatter [tilespmem:s15], [sflag:$0x2], $0x2000, s9, s14, $0x20;
	[tilespmem:$0x8080] =	vst v63  }
.LBB1_5:
0x12: {  	s15 =	sadd.s32 $0x4, s10  }
0x13: {  	s13 =	sadd.s32 $0x400, s11;
	s17 =	smov.u32 s11;
	p2 =	sgt.s32 s15, $0xC7  }
0x14: {  	s17 =	smov.u32 @p2 s13  }
0x15: {  	s15 =	smov.u32 @p2 s7;
	p2 =	sgt.s32 s17, $0x3FF  }
0x16: {  	s17 =	smov.u32 @p2 s3;
	p2 =	sne.s32 s12, s8  }
.Ltmp1:
0x17: {  	p1 =	slt.u32 s12, $0x2;
	(pc) =	sbr.rel @!p2 .LBB1_6-.Ltmp1, $4  }
0x18: {  	s16 =	simm.s32 @!p1 $0x2  }
0x19: {  	s14 =	smov.u32 s11;
	p0 =	por !p0, !p0;
	_ =	swait.ge @!p1 [sflag:s16], $0x2000  }
0x1a: {  	s13 =	smov.u32 s10;
	[sflag:s16] =	ssyncset.done @!p1 $0x0;
	s10 =	smov.u32 s15  }
0x1b: {  	s12 =	sadd.s32 $0x1, s12;
	[sflag:s16] =	ssyncadd.s32 @!p1 $0xFFFFE000;
	s11 =	smov.u32 s17  }
.LBB1_1:
0x1c: {  	p1 =	sge.u32 s12, s5  }
0x1d: {  	s15 =	sand.u32 @!p1 $0x1FFFFFF, s10  }
0x1e: {  	s16 =	smulhi.u32 @!p1 $0x147AE15, s15;
	_ =	sdelay $0x1  }
0x1f: {  	s16 =	smul.u32 @!p1 $0xC8, s16  }
0x20: {  	s17 =	sxor.u32 @!p1 $0xFFFFFFFF, s12;
	s18 =	smul.u32 @!p1 $0xC80, s11  }
0x21: {  	s31 =	sadd.s32 $0xFFFFFFFF, s12;
	s17 =	sshll.u32 @!p1 s17, $0xD;
	s15 =	ssub.s32 @!p1 s15, s16  }
0x22: {  	s16 =	sand.u32 @!p1 $0x2000, s17;
	s17 =	sadd.s32 @!p1 s6, s18;
	s15 =	sshll.u32 @!p1 s15, $0x4  }
0x23: {  	s18 =	simm.s32 @!p1 $0x6400;
	s15 =	sadd.s32 @!p1 s15, s17;
	s17 =	simm.s32 @!p1 $0x40  }
0x24: {  	[tilespmem:s16], [sflag:$0x1] =	stream.strided.gather @!p1 [hbm4b:s15+s17], $0x2000, s18, s17, $0x38;
	[tilespmem:$0x8080] =	vst v63  }
0x25: {  	p1 =	sge.u32 s31, s5  }
.Ltmp2:
0x26: {  	_ = 	snop;
	(pc) =	sbr.rel @p1 .LBB1_5-.Ltmp2, $1  }
0x27: {  	_ =	sdelay $0x3  }
0x28: {  	s15 =	simm.s32 $0x1  }
0x29: {  	_ =	swait.ge [sflag:s4], $0x2000;
	s15 =	simm.s32 @!p0 $0x0  }
0x2a: {  	[sflag:s4] =	ssyncset.done $0x0;
	s16 =	sshll.u32 s15, $0xD  }
0x2b: {  	[sflag:s4] =	ssyncadd.s32 $0xFFFFE000;
	s19 =	sor.u32 $0x20, s16  }
0x2c: {  	s15 =	smul.u32 $0x8100, s15;
	v3 =	vld [tilespmem:s19+$0x10]  }
0x2d: {  	s30 =	sand.u32 $0x1, s12;
	v2 =	vld [tilespmem:s19+$0xFFFFFFF0]  }
0x2e: {  	s16 =	smul.u32 $0x8100, s30;
	s15 =	sshrl.u32 s15, $0x2;
	v0 =	vld [tilespmem:s19+$0x0]  }
0x2f: {  	v1 =	vld [tilespmem:s19+$0xFFFFFFE0];
	s17 =	sor.u32 $0x4000, s15  }
0x30: {  	s31 =	sshrl.u32 s16, $0x2;
	s16 =	sadd.s32 $0x0, s17  }
0x31: {  	s18 =	simm.s32 $0x4;
	s19 =	sadd.s32 $0x40, s19;
	s15 =	sor.u32 $0x4000, s31;
	[tilespmem:s16+$0x1830 ss:$0x81] =	vst.msk $0xffff, v3  }
.LBB1_3:
0x32: {  	v3 =	vld [tilespmem:s19+$0x10];
	p1 =	sne.s32 s18, $0x1FC;
	[tilespmem:s16+$0x810 ss:$0x81] =	vst.msk $0xffff, v2;
	s20 =	smov.u32 s18;
	s18 =	sadd.s32 $0x4, s18  }
.Ltmp3:
0x33: {  	v2 =	vld [tilespmem:s19+$0xFFFFFFF0];
	[tilespmem:s16+$0x1020 ss:$0x81] =	vst.msk $0xffff, v0;
	(pc) =	sbr.rel @p1 .LBB1_3-.Ltmp3, $4  }
0x34: {  	v0 =	vld [tilespmem:s19+$0x0];
	[tilespmem:s16+$0x0 ss:$0x81] =	vst.msk $0xffff, v1  }
0x35: {  	s16 =	sshra.s32 s20, $0x2;
	v1 =	vld [tilespmem:s19+$0xFFFFFFE0]  }
0x36: {  	s16 =	sadd.s32 s16, s17  }
0x37: {  	s19 =	sadd.s32 $0x40, s19;
	[tilespmem:s16+$0x1830 ss:$0x81] =	vst.msk $0xffff, v3  }
.Ltmp4:
0x38: {  	_ = 	snop;
	(pc) =	sbr.rel .LBB1_4-.Ltmp4, $1  }
0x39: {  	_ =	sdelay $0x3  }
.LBB1_6:
0x3a: {  	_ =	sfence.sel $0x180000  }
0x3b: {  	s2 =	simm.s32 $0x1;
	[bflag:$0x0] =	sbarrier.arrive $0xFFFF  }
0x3c: {  	s31 =	simm.s32 $0x2;
	[sflag:s2] =	ssyncpa.u1 $0x1  }
0x3d: {  	[sflag:s31] =	ssyncpa.u1 $0x1  }
0x3e: {  	p0 =	sne.s32 s0, $0x0;
	_ =	strace $0x9000004A  }
0x3f: {  	s0 =	sadd.s32 @!p0 $0x100000, s1;
	[bflag:$0x2] =	sbarrier.arrive $0xFFFF  }
0x40: {  	[sflag:s0] =	ssyncadd.tile.s32 @!p0 $0x1;
	_ =	shalt  }
.Lfunc_end1:
_tile_overlayer_lowered:
.L_overlay_start_2:
0x41: {  	(tag) =	ssettag $0x2  }
0x42: {  	s0 =	rddreg [dreg:$0x0];
	s2 =	stileid.u32  }
0x43: {  	s1 =	rddreg [dreg:$0x1];
	p0 =	sne.s32 s2, $0x0  }
0x44: {  	s3 =	rddreg [dreg:$0x2];
	[bflag:$0x3] =	sbarrier.arrive $0xFFFF;
	s2 =	simm.s32 @!p0 $0x1C01  }
0x45: {  	[timem:s3], [sflag:s2] =	dma.local @!p0 [hbm:s0], s1  }
0x46: {  	s0 =	simm.s32 @!p0 $0x1  }
0x47: {  	_ =	swait.ge @!p0 [sflag:s0], s1  }
0x48: {  	s1 =	ssub.s32 @!p0 $0x0, s1;
	[sflag:s0] =	ssyncset.done @!p0 $0x0  }
0x49: {  	[sflag:s0] =	ssyncadd.s32 @!p0 s1  }
0x4a: {  	[bflag:$0x3] =	sbarrier.arrive $0xFFFF  }
0x4b: {  	_ =	shalt  }

</sc_bundles>
